<compile_context>
chip_gen: v7x
topology: tpu7x:2x2x1
jax: 0.10.2.dev20260603
libtpu: 0.0.44.dev20260713+nightly
codegen_flags: <defaults>
</compile_context>

<pallas_src>
import functools

import jax
import jax.numpy as jnp
from jax import lax
from jax.experimental import pallas as pl
from jax.experimental.pallas import tpu as pltpu
from jax.experimental.pallas import tpu_sc as plsc

H = 128
L = 16
NC = 2
NS = 16
NW = NC * NS
BATCH = 4
SEQ = 2048
PSLICE = SEQ // NW

_mesh = plsc.VectorSubcoreMesh(core_axis_name="c", subcore_axis_name="s")


@functools.partial(
    pl.kernel,
    out_type=jax.ShapeDtypeStruct((BATCH, SEQ, H), jnp.float32),
    mesh=_mesh,
    scratch_types=[
        [pltpu.VMEM((PSLICE,), jnp.int32) for _ in range(BATCH)],
        pltpu.VMEM((PSLICE, H), jnp.float32),
        [pltpu.VMEM((PSLICE, H), jnp.float32) for _ in range(BATCH)],
        [pltpu.SemaphoreType.DMA for _ in range(BATCH)],
        pltpu.SemaphoreType.DMA,
        pltpu.SemaphoreType.DMA,
        pltpu.SemaphoreType.DMA,
    ],
)
def _embed_lookup(x_hbm, tok_hbm, pos_hbm, out_hbm,
                  idx_bufs, pos_v, tok_bufs, g_sems, idx_sem, pos_sem, out_sem):
    wid = lax.axis_index("s") * NC + lax.axis_index("c")
    s1 = wid * PSLICE

    idx_copies = [
        pltpu.async_copy(x_hbm.at[b, pl.ds(s1, PSLICE)], idx_bufs[b], idx_sem)
        for b in range(BATCH)
    ]
    pos_copy = pltpu.async_copy(pos_hbm.at[pl.ds(s1, PSLICE), :], pos_v, pos_sem)
    g = []
    for b in range(BATCH):
        idx_copies[b].wait()
        g.append(pltpu.async_copy(tok_hbm.at[idx_bufs[b]], tok_bufs[b], g_sems[b]))
    pos_copy.wait()

    def add_rows(tok_ref):
        @plsc.parallel_loop(0, PSLICE, unroll=2)
        def body(j):
            for c in range(H // L):
                sl = pl.ds(c * L, L)
                plsc.addupdate(tok_ref.at[j, sl], pos_v[j, sl])

    outs = []
    for b in range(BATCH):
        g[b].wait()
        add_rows(tok_bufs[b])
        dst = out_hbm.at[b, pl.ds(s1, PSLICE), :]
        outs.append(pltpu.async_copy(tok_bufs[b], dst, out_sem))
    for o in outs:
        o.wait()


def kernel(x, token_table, position_table):
    return _embed_lookup(x.astype(jnp.int32), token_table, position_table)

# --- scband reference (transcript-rebuilt; emitter-appended) ---
"""Pipeline reference for scband-token-embedding-18399639896430 (READ-ONLY COPY).

The authoritative reference and input builder live on the scoring server;
editing this copy changes nothing except your own understanding.
"""

import jax, jax.numpy as jnp
import numpy as np

VOCAB = 100000
MAX_POS = 2048
HIDDEN = 128
BATCH = 4
SEQ = 2048


def setup_inputs(seed: int = 0) -> dict:
    key = jax.random.key(seed)
    k1, k2, k3 = jax.random.split(key, 3)
    x = jax.random.randint(k1, (BATCH, SEQ), 0, VOCAB, dtype=jnp.int64 if jax.config.jax_enable_x64 else jnp.int32)
    token_table = jax.random.normal(k2, (VOCAB, HIDDEN), dtype=jnp.float32) * 0.02
    position_table = jax.random.normal(k3, (MAX_POS, HIDDEN), dtype=jnp.float32) * 0.02
    return {"x": x, "token_table": token_table, "position_table": position_table}


def reference(x, token_table, position_table):
    # token embedding lookup (gather)
    token_embeds = jnp.take(token_table, x, axis=0)  # [B, S, H]
    # position_ids = arange(S) broadcast to [B, S]
    position_ids = jnp.broadcast_to(jnp.arange(x.shape[1])[None, :], x.shape)
    position_embeds = jnp.take(position_table, position_ids, axis=0)  # [B, S, H]
    embeddings = token_embeds + position_embeds
    # dropout_prob = 0.0 -> identity (eval-mode dropout)
    return embeddings

if __name__ == "__main__":
    import jax
    _d = setup_inputs()
    print(jax.jit(kernel)(*tuple(_d.values())))

</pallas_src>

<mosaic_0001>
#map = affine_map<(d0, d1) -> (0, 0)>
#map1 = affine_map<(d0, d1) -> (0, 0, 0)>
module attributes {stable_mosaic.version = 14 : i64} {
  func.func @_embed_lookup(%arg0: i32, %arg1: i32, %arg2: memref<4x2048xi32, #tpu.memory_space<hbm>>, %arg3: memref<100000x128xf32, #tpu.memory_space<hbm>>, %arg4: memref<2048x128xf32, #tpu.memory_space<hbm>>, %arg5: memref<4x2048x128xf32, #tpu.memory_space<hbm>>, %arg6: memref<64xi32, #tpu.memory_space<vmem>>, %arg7: memref<64xi32, #tpu.memory_space<vmem>>, %arg8: memref<64xi32, #tpu.memory_space<vmem>>, %arg9: memref<64xi32, #tpu.memory_space<vmem>>, %arg10: memref<64x128xf32, #tpu.memory_space<vmem>>, %arg11: memref<64x128xf32, #tpu.memory_space<vmem>>, %arg12: memref<64x128xf32, #tpu.memory_space<vmem>>, %arg13: memref<64x128xf32, #tpu.memory_space<vmem>>, %arg14: memref<64x128xf32, #tpu.memory_space<vmem>>, %arg15: memref<!tpu.dma_semaphore, #tpu.memory_space<semaphore_mem>>, %arg16: memref<!tpu.dma_semaphore, #tpu.memory_space<semaphore_mem>>, %arg17: memref<!tpu.dma_semaphore, #tpu.memory_space<semaphore_mem>>, %arg18: memref<!tpu.dma_semaphore, #tpu.memory_space<semaphore_mem>>, %arg19: memref<!tpu.dma_semaphore, #tpu.memory_space<semaphore_mem>>, %arg20: memref<!tpu.dma_semaphore, #tpu.memory_space<semaphore_mem>>, %arg21: memref<!tpu.dma_semaphore, #tpu.memory_space<semaphore_mem>>) attributes {dimension_semantics = [#tpu.dimension_semantics<core_parallel>, #tpu.dimension_semantics<subcore_parallel>], iteration_bounds = array<i64: 2, 16>, scalar_prefetch = 0 : i64, scratch_operands = 16 : i64, tpu.core_type = #tpu.core_type<sc_vector_subcore>, window_params = [{transform_indices = #map}, {transform_indices = #map}, {transform_indices = #map}, {transform_indices = #map1}]} {
    %mul3A = arith.constant 2 : i32
    %mul3A_0 = arith.muli %arg1, %mul3A : i32
    %add3A = arith.addi %mul3A_0, %arg0 : i32
    %mul3A_1 = arith.constant 64 : i32
    %mul3A_2 = arith.muli %add3A, %mul3A_1 : i32
    %dma_start3A = arith.constant 0 : i32
    %dma_start3A_3 = tpu.memref_slice %arg2[%dma_start3A, %mul3A_2] : memref<4x2048xi32, #tpu.memory_space<hbm>> -> memref<1x64xi32, #tpu.memory_space<hbm>>
    %dma_start3A_4 = tpu.memref_squeeze %dma_start3A_3 : memref<1x64xi32, #tpu.memory_space<hbm>> -> memref<64xi32, #tpu.memory_space<hbm>>
    %dma_start3A_5 = tpu.memref_slice %arg2[%dma_start3A, %mul3A_2] : memref<4x2048xi32, #tpu.memory_space<hbm>> -> memref<1x64xi32, #tpu.memory_space<hbm>>
    %dma_start3A_6 = tpu.memref_squeeze %dma_start3A_5 : memref<1x64xi32, #tpu.memory_space<hbm>> -> memref<64xi32, #tpu.memory_space<hbm>>
    tpu.enqueue_dma source(%dma_start3A_6 : memref<64xi32, #tpu.memory_space<hbm>>) target(%arg6 : memref<64xi32, #tpu.memory_space<vmem>>) target_semaphore(%arg19 : memref<!tpu.dma_semaphore, #tpu.memory_space<semaphore_mem>>)
    %dma_start3A_7 = arith.constant 1 : i32
    %dma_start3A_8 = tpu.memref_slice %arg2[%dma_start3A_7, %mul3A_2] : memref<4x2048xi32, #tpu.memory_space<hbm>> -> memref<1x64xi32, #tpu.memory_space<hbm>>
    %dma_start3A_9 = tpu.memref_squeeze %dma_start3A_8 : memref<1x64xi32, #tpu.memory_space<hbm>> -> memref<64xi32, #tpu.memory_space<hbm>>
    %dma_start3A_10 = tpu.memref_slice %arg2[%dma_start3A_7, %mul3A_2] : memref<4x2048xi32, #tpu.memory_space<hbm>> -> memref<1x64xi32, #tpu.memory_space<hbm>>
    %dma_start3A_11 = tpu.memref_squeeze %dma_start3A_10 : memref<1x64xi32, #tpu.memory_space<hbm>> -> memref<64xi32, #tpu.memory_space<hbm>>
    tpu.enqueue_dma source(%dma_start3A_11 : memref<64xi32, #tpu.memory_space<hbm>>) target(%arg7 : memref<64xi32, #tpu.memory_space<vmem>>) target_semaphore(%arg19 : memref<!tpu.dma_semaphore, #tpu.memory_space<semaphore_mem>>)
    %dma_start3A_12 = arith.constant 2 : i32
    %dma_start3A_13 = tpu.memref_slice %arg2[%dma_start3A_12, %mul3A_2] : memref<4x2048xi32, #tpu.memory_space<hbm>> -> memref<1x64xi32, #tpu.memory_space<hbm>>
    %dma_start3A_14 = tpu.memref_squeeze %dma_start3A_13 : memref<1x64xi32, #tpu.memory_space<hbm>> -> memref<64xi32, #tpu.memory_space<hbm>>
    %dma_start3A_15 = tpu.memref_slice %arg2[%dma_start3A_12, %mul3A_2] : memref<4x2048xi32, #tpu.memory_space<hbm>> -> memref<1x64xi32, #tpu.memory_space<hbm>>
    %dma_start3A_16 = tpu.memref_squeeze %dma_start3A_15 : memref<1x64xi32, #tpu.memory_space<hbm>> -> memref<64xi32, #tpu.memory_space<hbm>>
    tpu.enqueue_dma source(%dma_start3A_16 : memref<64xi32, #tpu.memory_space<hbm>>) target(%arg8 : memref<64xi32, #tpu.memory_space<vmem>>) target_semaphore(%arg19 : memref<!tpu.dma_semaphore, #tpu.memory_space<semaphore_mem>>)
    %dma_start3A_17 = arith.constant 3 : i32
    %dma_start3A_18 = tpu.memref_slice %arg2[%dma_start3A_17, %mul3A_2] : memref<4x2048xi32, #tpu.memory_space<hbm>> -> memref<1x64xi32, #tpu.memory_space<hbm>>
    %dma_start3A_19 = tpu.memref_squeeze %dma_start3A_18 : memref<1x64xi32, #tpu.memory_space<hbm>> -> memref<64xi32, #tpu.memory_space<hbm>>
    %dma_start3A_20 = tpu.memref_slice %arg2[%dma_start3A_17, %mul3A_2] : memref<4x2048xi32, #tpu.memory_space<hbm>> -> memref<1x64xi32, #tpu.memory_space<hbm>>
    %dma_start3A_21 = tpu.memref_squeeze %dma_start3A_20 : memref<1x64xi32, #tpu.memory_space<hbm>> -> memref<64xi32, #tpu.memory_space<hbm>>
    tpu.enqueue_dma source(%dma_start3A_21 : memref<64xi32, #tpu.memory_space<hbm>>) target(%arg9 : memref<64xi32, #tpu.memory_space<vmem>>) target_semaphore(%arg19 : memref<!tpu.dma_semaphore, #tpu.memory_space<semaphore_mem>>)
    %dma_start3A_22 = arith.constant 0 : i32
    %dma_start3A_23 = tpu.memref_slice %arg4[%mul3A_2, %dma_start3A_22] : memref<2048x128xf32, #tpu.memory_space<hbm>> -> memref<64x128xf32, #tpu.memory_space<hbm>>
    %dma_start3A_24 = arith.constant 0 : i32
    %dma_start3A_25 = tpu.memref_slice %arg4[%mul3A_2, %dma_start3A_24] : memref<2048x128xf32, #tpu.memory_space<hbm>> -> memref<64x128xf32, #tpu.memory_space<hbm>>
    tpu.enqueue_dma source(%dma_start3A_25 : memref<64x128xf32, #tpu.memory_space<hbm>>) target(%arg10 : memref<64x128xf32, #tpu.memory_space<vmem>>) target_semaphore(%arg20 : memref<!tpu.dma_semaphore, #tpu.memory_space<semaphore_mem>>)
    %dma_wait3A = arith.constant 0 : i32
    %dma_wait3A_26 = tpu.memref_slice %arg2[%dma_wait3A, %mul3A_2] : memref<4x2048xi32, #tpu.memory_space<hbm>> -> memref<1x64xi32, #tpu.memory_space<hbm>>
    %dma_wait3A_27 = tpu.memref_squeeze %dma_wait3A_26 : memref<1x64xi32, #tpu.memory_space<hbm>> -> memref<64xi32, #tpu.memory_space<hbm>>
    %dma_wait3A_28 = tpu.memref_slice %arg2[%dma_wait3A, %mul3A_2] : memref<4x2048xi32, #tpu.memory_space<hbm>> -> memref<1x64xi32, #tpu.memory_space<hbm>>
    %dma_wait3A_29 = tpu.memref_squeeze %dma_wait3A_28 : memref<1x64xi32, #tpu.memory_space<hbm>> -> memref<64xi32, #tpu.memory_space<hbm>>
    tpu.wait_dma2 semaphore(%arg19 : memref<!tpu.dma_semaphore, #tpu.memory_space<semaphore_mem>>) src(%dma_wait3A_29 : memref<64xi32, #tpu.memory_space<hbm>>) dst(%arg6 : memref<64xi32, #tpu.memory_space<vmem>>)
    %dma_start3A_30 = arith.constant 0 : i32
    %dma_start3A_31 = arith.constant 0 : i32
    %dma_start3A_32 = tpu.memref_slice %arg3[%dma_start3A_30, %dma_start3A_31] : memref<100000x128xf32, #tpu.memory_space<hbm>> -> memref<100000x128xf32, #tpu.memory_space<hbm>>
    tpu.enqueue_indirect_dma source(%dma_start3A_32 : memref<100000x128xf32, #tpu.memory_space<hbm>>) target(%arg11 : memref<64x128xf32, #tpu.memory_space<vmem>>) offsets(%arg6 : memref<64xi32, #tpu.memory_space<vmem>>) semaphore(%arg15 : memref<!tpu.dma_semaphore, #tpu.memory_space<semaphore_mem>>)
    %dma_wait3A_33 = arith.constant 1 : i32
    %dma_wait3A_34 = tpu.memref_slice %arg2[%dma_wait3A_33, %mul3A_2] : memref<4x2048xi32, #tpu.memory_space<hbm>> -> memref<1x64xi32, #tpu.memory_space<hbm>>
    %dma_wait3A_35 = tpu.memref_squeeze %dma_wait3A_34 : memref<1x64xi32, #tpu.memory_space<hbm>> -> memref<64xi32, #tpu.memory_space<hbm>>
    %dma_wait3A_36 = tpu.memref_slice %arg2[%dma_wait3A_33, %mul3A_2] : memref<4x2048xi32, #tpu.memory_space<hbm>> -> memref<1x64xi32, #tpu.memory_space<hbm>>
    %dma_wait3A_37 = tpu.memref_squeeze %dma_wait3A_36 : memref<1x64xi32, #tpu.memory_space<hbm>> -> memref<64xi32, #tpu.memory_space<hbm>>
    tpu.wait_dma2 semaphore(%arg19 : memref<!tpu.dma_semaphore, #tpu.memory_space<semaphore_mem>>) src(%dma_wait3A_37 : memref<64xi32, #tpu.memory_space<hbm>>) dst(%arg7 : memref<64xi32, #tpu.memory_space<vmem>>)
    %dma_start3A_38 = arith.constant 0 : i32
    %dma_start3A_39 = arith.constant 0 : i32
    %dma_start3A_40 = tpu.memref_slice %arg3[%dma_start3A_38, %dma_start3A_39] : memref<100000x128xf32, #tpu.memory_space<hbm>> -> memref<100000x128xf32, #tpu.memory_space<hbm>>
    tpu.enqueue_indirect_dma source(%dma_start3A_40 : memref<100000x128xf32, #tpu.memory_space<hbm>>) target(%arg12 : memref<64x128xf32, #tpu.memory_space<vmem>>) offsets(%arg7 : memref<64xi32, #tpu.memory_space<vmem>>) semaphore(%arg16 : memref<!tpu.dma_semaphore, #tpu.memory_space<semaphore_mem>>)
    %dma_wait3A_41 = arith.constant 2 : i32
    %dma_wait3A_42 = tpu.memref_slice %arg2[%dma_wait3A_41, %mul3A_2] : memref<4x2048xi32, #tpu.memory_space<hbm>> -> memref<1x64xi32, #tpu.memory_space<hbm>>
    %dma_wait3A_43 = tpu.memref_squeeze %dma_wait3A_42 : memref<1x64xi32, #tpu.memory_space<hbm>> -> memref<64xi32, #tpu.memory_space<hbm>>
    %dma_wait3A_44 = tpu.memref_slice %arg2[%dma_wait3A_41, %mul3A_2] : memref<4x2048xi32, #tpu.memory_space<hbm>> -> memref<1x64xi32, #tpu.memory_space<hbm>>
    %dma_wait3A_45 = tpu.memref_squeeze %dma_wait3A_44 : memref<1x64xi32, #tpu.memory_space<hbm>> -> memref<64xi32, #tpu.memory_space<hbm>>
    tpu.wait_dma2 semaphore(%arg19 : memref<!tpu.dma_semaphore, #tpu.memory_space<semaphore_mem>>) src(%dma_wait3A_45 : memref<64xi32, #tpu.memory_space<hbm>>) dst(%arg8 : memref<64xi32, #tpu.memory_space<vmem>>)
    %dma_start3A_46 = arith.constant 0 : i32
    %dma_start3A_47 = arith.constant 0 : i32
    %dma_start3A_48 = tpu.memref_slice %arg3[%dma_start3A_46, %dma_start3A_47] : memref<100000x128xf32, #tpu.memory_space<hbm>> -> memref<100000x128xf32, #tpu.memory_space<hbm>>
    tpu.enqueue_indirect_dma source(%dma_start3A_48 : memref<100000x128xf32, #tpu.memory_space<hbm>>) target(%arg13 : memref<64x128xf32, #tpu.memory_space<vmem>>) offsets(%arg8 : memref<64xi32, #tpu.memory_space<vmem>>) semaphore(%arg17 : memref<!tpu.dma_semaphore, #tpu.memory_space<semaphore_mem>>)
    %dma_wait3A_49 = arith.constant 3 : i32
    %dma_wait3A_50 = tpu.memref_slice %arg2[%dma_wait3A_49, %mul3A_2] : memref<4x2048xi32, #tpu.memory_space<hbm>> -> memref<1x64xi32, #tpu.memory_space<hbm>>
    %dma_wait3A_51 = tpu.memref_squeeze %dma_wait3A_50 : memref<1x64xi32, #tpu.memory_space<hbm>> -> memref<64xi32, #tpu.memory_space<hbm>>
    %dma_wait3A_52 = tpu.memref_slice %arg2[%dma_wait3A_49, %mul3A_2] : memref<4x2048xi32, #tpu.memory_space<hbm>> -> memref<1x64xi32, #tpu.memory_space<hbm>>
    %dma_wait3A_53 = tpu.memref_squeeze %dma_wait3A_52 : memref<1x64xi32, #tpu.memory_space<hbm>> -> memref<64xi32, #tpu.memory_space<hbm>>
    tpu.wait_dma2 semaphore(%arg19 : memref<!tpu.dma_semaphore, #tpu.memory_space<semaphore_mem>>) src(%dma_wait3A_53 : memref<64xi32, #tpu.memory_space<hbm>>) dst(%arg9 : memref<64xi32, #tpu.memory_space<vmem>>)
    %dma_start3A_54 = arith.constant 0 : i32
    %dma_start3A_55 = arith.constant 0 : i32
    %dma_start3A_56 = tpu.memref_slice %arg3[%dma_start3A_54, %dma_start3A_55] : memref<100000x128xf32, #tpu.memory_space<hbm>> -> memref<100000x128xf32, #tpu.memory_space<hbm>>
    tpu.enqueue_indirect_dma source(%dma_start3A_56 : memref<100000x128xf32, #tpu.memory_space<hbm>>) target(%arg14 : memref<64x128xf32, #tpu.memory_space<vmem>>) offsets(%arg9 : memref<64xi32, #tpu.memory_space<vmem>>) semaphore(%arg18 : memref<!tpu.dma_semaphore, #tpu.memory_space<semaphore_mem>>)
    %dma_wait3A_57 = arith.constant 0 : i32
    %dma_wait3A_58 = tpu.memref_slice %arg4[%mul3A_2, %dma_wait3A_57] : memref<2048x128xf32, #tpu.memory_space<hbm>> -> memref<64x128xf32, #tpu.memory_space<hbm>>
    %dma_wait3A_59 = arith.constant 0 : i32
    %dma_wait3A_60 = tpu.memref_slice %arg4[%mul3A_2, %dma_wait3A_59] : memref<2048x128xf32, #tpu.memory_space<hbm>> -> memref<64x128xf32, #tpu.memory_space<hbm>>
    tpu.wait_dma2 semaphore(%arg20 : memref<!tpu.dma_semaphore, #tpu.memory_space<semaphore_mem>>) src(%dma_wait3A_60 : memref<64x128xf32, #tpu.memory_space<hbm>>) dst(%arg10 : memref<64x128xf32, #tpu.memory_space<vmem>>)
    %dma_wait3A_61 = arith.constant 0 : i32
    %dma_wait3A_62 = arith.constant 0 : i32
    %dma_wait3A_63 = tpu.memref_slice %arg3[%dma_wait3A_61, %dma_wait3A_62] : memref<100000x128xf32, #tpu.memory_space<hbm>> -> memref<100000x128xf32, #tpu.memory_space<hbm>>
    tpu.wait_indirect_dma semaphore(%arg15 : memref<!tpu.dma_semaphore, #tpu.memory_space<semaphore_mem>>) src(%dma_wait3A_63 : memref<100000x128xf32, #tpu.memory_space<hbm>>) dst(%arg11 : memref<64x128xf32, #tpu.memory_space<vmem>>)
    %parallel_loop3A = arith.constant 0 : i32
    %parallel_loop3A_64 = arith.constant 64 : i32
    %parallel_loop3A_65 = arith.constant 1 : i32
    scf.for %parallel_loop3A_140 = %parallel_loop3A to %parallel_loop3A_64 step %parallel_loop3A_65  : i32 {
      %parallel_loop3A_141 = arith.index_cast %parallel_loop3A_140 : i32 to index
      %parallel_loop3A_142 = arith.constant 0 : index
      %parallel_loop3A_143 = tpu.vector_load %arg10[%parallel_loop3A_141, %parallel_loop3A_142] {strides = array<i32>} : memref<64x128xf32, #tpu.memory_space<vmem>>, vector<1x16xf32>,
      %parallel_loop3A_144 = vector.shape_cast %parallel_loop3A_143 : vector<1x16xf32> to vector<16xf32>
      %parallel_loop3A_145 = arith.index_cast %parallel_loop3A_140 : i32 to index
      %parallel_loop3A_146 = arith.constant 0 : index
      %parallel_loop3A_147 = tpu.vector_load %arg11[%parallel_loop3A_145, %parallel_loop3A_146] {strides = array<i32>} : memref<64x128xf32, #tpu.memory_space<vmem>>, vector<1x16xf32>,
      %parallel_loop3A_148 = vector.shape_cast %parallel_loop3A_147 : vector<1x16xf32> to vector<16xf32>
      %parallel_loop3A_149 = vector.shape_cast %parallel_loop3A_144 : vector<16xf32> to vector<1x16xf32>
      tpu.vector_store %arg11[%parallel_loop3A_145, %parallel_loop3A_146], %parallel_loop3A_149 {add = true, strides = array<i32>} : memref<64x128xf32, #tpu.memory_space<vmem>>, vector<1x16xf32>,
      %parallel_loop3A_150 = arith.index_cast %parallel_loop3A_140 : i32 to index
      %parallel_loop3A_151 = arith.constant 16 : index
      %parallel_loop3A_152 = tpu.vector_load %arg10[%parallel_loop3A_150, %parallel_loop3A_151] {strides = array<i32>} : memref<64x128xf32, #tpu.memory_space<vmem>>, vector<1x16xf32>,
      %parallel_loop3A_153 = vector.shape_cast %parallel_loop3A_152 : vector<1x16xf32> to vector<16xf32>
      %parallel_loop3A_154 = arith.index_cast %parallel_loop3A_140 : i32 to index
      %parallel_loop3A_155 = arith.constant 16 : index
      %parallel_loop3A_156 = tpu.vector_load %arg11[%parallel_loop3A_154, %parallel_loop3A_155] {strides = array<i32>} : memref<64x128xf32, #tpu.memory_space<vmem>>, vector<1x16xf32>,
      %parallel_loop3A_157 = vector.shape_cast %parallel_loop3A_156 : vector<1x16xf32> to vector<16xf32>
      %parallel_loop3A_158 = vector.shape_cast %parallel_loop3A_153 : vector<16xf32> to vector<1x16xf32>
      tpu.vector_store %arg11[%parallel_loop3A_154, %parallel_loop3A_155], %parallel_loop3A_158 {add = true, strides = array<i32>} : memref<64x128xf32, #tpu.memory_space<vmem>>, vector<1x16xf32>,
      %parallel_loop3A_159 = arith.index_cast %parallel_loop3A_140 : i32 to index
      %parallel_loop3A_160 = arith.constant 32 : index
      %parallel_loop3A_161 = tpu.vector_load %arg10[%parallel_loop3A_159, %parallel_loop3A_160] {strides = array<i32>} : memref<64x128xf32, #tpu.memory_space<vmem>>, vector<1x16xf32>,
      %parallel_loop3A_162 = vector.shape_cast %parallel_loop3A_161 : vector<1x16xf32> to vector<16xf32>
      %parallel_loop3A_163 = arith.index_cast %parallel_loop3A_140 : i32 to index
      %parallel_loop3A_164 = arith.constant 32 : index
      %parallel_loop3A_165 = tpu.vector_load %arg11[%parallel_loop3A_163, %parallel_loop3A_164] {strides = array<i32>} : memref<64x128xf32, #tpu.memory_space<vmem>>, vector<1x16xf32>,
      %parallel_loop3A_166 = vector.shape_cast %parallel_loop3A_165 : vector<1x16xf32> to vector<16xf32>
      %parallel_loop3A_167 = vector.shape_cast %parallel_loop3A_162 : vector<16xf32> to vector<1x16xf32>
      tpu.vector_store %arg11[%parallel_loop3A_163, %parallel_loop3A_164], %parallel_loop3A_167 {add = true, strides = array<i32>} : memref<64x128xf32, #tpu.memory_space<vmem>>, vector<1x16xf32>,
      %parallel_loop3A_168 = arith.index_cast %parallel_loop3A_140 : i32 to index
      %parallel_loop3A_169 = arith.constant 48 : index
      %parallel_loop3A_170 = tpu.vector_load %arg10[%parallel_loop3A_168, %parallel_loop3A_169] {strides = array<i32>} : memref<64x128xf32, #tpu.memory_space<vmem>>, vector<1x16xf32>,
      %parallel_loop3A_171 = vector.shape_cast %parallel_loop3A_170 : vector<1x16xf32> to vector<16xf32>
      %parallel_loop3A_172 = arith.index_cast %parallel_loop3A_140 : i32 to index
      %parallel_loop3A_173 = arith.constant 48 : index
      %parallel_loop3A_174 = tpu.vector_load %arg11[%parallel_loop3A_172, %parallel_loop3A_173] {strides = array<i32>} : memref<64x128xf32, #tpu.memory_space<vmem>>, vector<1x16xf32>,
      %parallel_loop3A_175 = vector.shape_cast %parallel_loop3A_174 : vector<1x16xf32> to vector<16xf32>
      %parallel_loop3A_176 = vector.shape_cast %parallel_loop3A_171 : vector<16xf32> to vector<1x16xf32>
      tpu.vector_store %arg11[%parallel_loop3A_172, %parallel_loop3A_173], %parallel_loop3A_176 {add = true, strides = array<i32>} : memref<64x128xf32, #tpu.memory_space<vmem>>, vector<1x16xf32>,
      %parallel_loop3A_177 = arith.index_cast %parallel_loop3A_140 : i32 to index
      %parallel_loop3A_178 = arith.constant 64 : index
      %parallel_loop3A_179 = tpu.vector_load %arg10[%parallel_loop3A_177, %parallel_loop3A_178] {strides = array<i32>} : memref<64x128xf32, #tpu.memory_space<vmem>>, vector<1x16xf32>,
      %parallel_loop3A_180 = vector.shape_cast %parallel_loop3A_179 : vector<1x16xf32> to vector<16xf32>
      %parallel_loop3A_181 = arith.index_cast %parallel_loop3A_140 : i32 to index
      %parallel_loop3A_182 = arith.constant 64 : index
      %parallel_loop3A_183 = tpu.vector_load %arg11[%parallel_loop3A_181, %parallel_loop3A_182] {strides = array<i32>} : memref<64x128xf32, #tpu.memory_space<vmem>>, vector<1x16xf32>,
      %parallel_loop3A_184 = vector.shape_cast %parallel_loop3A_183 : vector<1x16xf32> to vector<16xf32>
      %parallel_loop3A_185 = vector.shape_cast %parallel_loop3A_180 : vector<16xf32> to vector<1x16xf32>
      tpu.vector_store %arg11[%parallel_loop3A_181, %parallel_loop3A_182], %parallel_loop3A_185 {add = true, strides = array<i32>} : memref<64x128xf32, #tpu.memory_space<vmem>>, vector<1x16xf32>,
      %parallel_loop3A_186 = arith.index_cast %parallel_loop3A_140 : i32 to index
      %parallel_loop3A_187 = arith.constant 80 : index
      %parallel_loop3A_188 = tpu.vector_load %arg10[%parallel_loop3A_186, %parallel_loop3A_187] {strides = array<i32>} : memref<64x128xf32, #tpu.memory_space<vmem>>, vector<1x16xf32>,
      %parallel_loop3A_189 = vector.shape_cast %parallel_loop3A_188 : vector<1x16xf32> to vector<16xf32>
      %parallel_loop3A_190 = arith.index_cast %parallel_loop3A_140 : i32 to index
      %parallel_loop3A_191 = arith.constant 80 : index
      %parallel_loop3A_192 = tpu.vector_load %arg11[%parallel_loop3A_190, %parallel_loop3A_191] {strides = array<i32>} : memref<64x128xf32, #tpu.memory_space<vmem>>, vector<1x16xf32>,
      %parallel_loop3A_193 = vector.shape_cast %parallel_loop3A_192 : vector<1x16xf32> to vector<16xf32>
      %parallel_loop3A_194 = vector.shape_cast %parallel_loop3A_189 : vector<16xf32> to vector<1x16xf32>
      tpu.vector_store %arg11[%parallel_loop3A_190, %parallel_loop3A_191], %parallel_loop3A_194 {add = true, strides = array<i32>} : memref<64x128xf32, #tpu.memory_space<vmem>>, vector<1x16xf32>,
      %parallel_loop3A_195 = arith.index_cast %parallel_loop3A_140 : i32 to index
      %parallel_loop3A_196 = arith.constant 96 : index
      %parallel_loop3A_197 = tpu.vector_load %arg10[%parallel_loop3A_195, %parallel_loop3A_196] {strides = array<i32>} : memref<64x128xf32, #tpu.memory_space<vmem>>, vector<1x16xf32>,
      %parallel_loop3A_198 = vector.shape_cast %parallel_loop3A_197 : vector<1x16xf32> to vector<16xf32>
      %parallel_loop3A_199 = arith.index_cast %parallel_loop3A_140 : i32 to index
      %parallel_loop3A_200 = arith.constant 96 : index
      %parallel_loop3A_201 = tpu.vector_load %arg11[%parallel_loop3A_199, %parallel_loop3A_200] {strides = array<i32>} : memref<64x128xf32, #tpu.memory_space<vmem>>, vector<1x16xf32>,
      %parallel_loop3A_202 = vector.shape_cast %parallel_loop3A_201 : vector<1x16xf32> to vector<16xf32>
      %parallel_loop3A_203 = vector.shape_cast %parallel_loop3A_198 : vector<16xf32> to vector<1x16xf32>
      tpu.vector_store %arg11[%parallel_loop3A_199, %parallel_loop3A_200], %parallel_loop3A_203 {add = true, strides = array<i32>} : memref<64x128xf32, #tpu.memory_space<vmem>>, vector<1x16xf32>,
      %parallel_loop3A_204 = arith.index_cast %parallel_loop3A_140 : i32 to index
      %parallel_loop3A_205 = arith.constant 112 : index
      %parallel_loop3A_206 = tpu.vector_load %arg10[%parallel_loop3A_204, %parallel_loop3A_205] {strides = array<i32>} : memref<64x128xf32, #tpu.memory_space<vmem>>, vector<1x16xf32>,
      %parallel_loop3A_207 = vector.shape_cast %parallel_loop3A_206 : vector<1x16xf32> to vector<16xf32>
      %parallel_loop3A_208 = arith.index_cast %parallel_loop3A_140 : i32 to index
      %parallel_loop3A_209 = arith.constant 112 : index
      %parallel_loop3A_210 = tpu.vector_load %arg11[%parallel_loop3A_208, %parallel_loop3A_209] {strides = array<i32>} : memref<64x128xf32, #tpu.memory_space<vmem>>, vector<1x16xf32>,
      %parallel_loop3A_211 = vector.shape_cast %parallel_loop3A_210 : vector<1x16xf32> to vector<16xf32>
      %parallel_loop3A_212 = vector.shape_cast %parallel_loop3A_207 : vector<16xf32> to vector<1x16xf32>
      tpu.vector_store %arg11[%parallel_loop3A_208, %parallel_loop3A_209], %parallel_loop3A_212 {add = true, strides = array<i32>} : memref<64x128xf32, #tpu.memory_space<vmem>>, vector<1x16xf32>,
    } {sc.loop_unroll_factor = 2 : i64, sc.parallel_access}
    %dma_start3A_66 = arith.constant 0 : i32
    %dma_start3A_67 = arith.constant 0 : i32
    %dma_start3A_68 = tpu.memref_slice %arg5[%dma_start3A_66, %mul3A_2, %dma_start3A_67] : memref<4x2048x128xf32, #tpu.memory_space<hbm>> -> memref<1x64x128xf32, #tpu.memory_space<hbm>>
    %dma_start3A_69 = tpu.memref_squeeze %dma_start3A_68 : memref<1x64x128xf32, #tpu.memory_space<hbm>> -> memref<64x128xf32, #tpu.memory_space<hbm>>
    %dma_start3A_70 = arith.constant 0 : i32
    %dma_start3A_71 = tpu.memref_slice %arg5[%dma_start3A_66, %mul3A_2, %dma_start3A_70] : memref<4x2048x128xf32, #tpu.memory_space<hbm>> -> memref<1x64x128xf32, #tpu.memory_space<hbm>>
    %dma_start3A_72 = tpu.memref_squeeze %dma_start3A_71 : memref<1x64x128xf32, #tpu.memory_space<hbm>> -> memref<64x128xf32, #tpu.memory_space<hbm>>
    tpu.enqueue_dma source(%arg11 : memref<64x128xf32, #tpu.memory_space<vmem>>) target(%dma_start3A_72 : memref<64x128xf32, #tpu.memory_space<hbm>>) target_semaphore(%arg21 : memref<!tpu.dma_semaphore, #tpu.memory_space<semaphore_mem>>)
    %dma_wait3A_73 = arith.constant 0 : i32
    %dma_wait3A_74 = arith.constant 0 : i32
    %dma_wait3A_75 = tpu.memref_slice %arg3[%dma_wait3A_73, %dma_wait3A_74] : memref<100000x128xf32, #tpu.memory_space<hbm>> -> memref<100000x128xf32, #tpu.memory_space<hbm>>
    tpu.wait_indirect_dma semaphore(%arg16 : memref<!tpu.dma_semaphore, #tpu.memory_space<semaphore_mem>>) src(%dma_wait3A_75 : memref<100000x128xf32, #tpu.memory_space<hbm>>) dst(%arg12 : memref<64x128xf32, #tpu.memory_space<vmem>>)
    %parallel_loop3A_76 = arith.constant 0 : i32
    %parallel_loop3A_77 = arith.constant 64 : i32
    %parallel_loop3A_78 = arith.constant 1 : i32
    scf.for %parallel_loop3A_140 = %parallel_loop3A_76 to %parallel_loop3A_77 step %parallel_loop3A_78  : i32 {
      %parallel_loop3A_141 = arith.index_cast %parallel_loop3A_140 : i32 to index
      %parallel_loop3A_142 = arith.constant 0 : index
      %parallel_loop3A_143 = tpu.vector_load %arg10[%parallel_loop3A_141, %parallel_loop3A_142] {strides = array<i32>} : memref<64x128xf32, #tpu.memory_space<vmem>>, vector<1x16xf32>,
      %parallel_loop3A_144 = vector.shape_cast %parallel_loop3A_143 : vector<1x16xf32> to vector<16xf32>
      %parallel_loop3A_145 = arith.index_cast %parallel_loop3A_140 : i32 to index
      %parallel_loop3A_146 = arith.constant 0 : index
      %parallel_loop3A_147 = tpu.vector_load %arg12[%parallel_loop3A_145, %parallel_loop3A_146] {strides = array<i32>} : memref<64x128xf32, #tpu.memory_space<vmem>>, vector<1x16xf32>,
      %parallel_loop3A_148 = vector.shape_cast %parallel_loop3A_147 : vector<1x16xf32> to vector<16xf32>
      %parallel_loop3A_149 = vector.shape_cast %parallel_loop3A_144 : vector<16xf32> to vector<1x16xf32>
      tpu.vector_store %arg12[%parallel_loop3A_145, %parallel_loop3A_146], %parallel_loop3A_149 {add = true, strides = array<i32>} : memref<64x128xf32, #tpu.memory_space<vmem>>, vector<1x16xf32>,
      %parallel_loop3A_150 = arith.index_cast %parallel_loop3A_140 : i32 to index
      %parallel_loop3A_151 = arith.constant 16 : index
      %parallel_loop3A_152 = tpu.vector_load %arg10[%parallel_loop3A_150, %parallel_loop3A_151] {strides = array<i32>} : memref<64x128xf32, #tpu.memory_space<vmem>>, vector<1x16xf32>,
      %parallel_loop3A_153 = vector.shape_cast %parallel_loop3A_152 : vector<1x16xf32> to vector<16xf32>
      %parallel_loop3A_154 = arith.index_cast %parallel_loop3A_140 : i32 to index
      %parallel_loop3A_155 = arith.constant 16 : index
      %parallel_loop3A_156 = tpu.vector_load %arg12[%parallel_loop3A_154, %parallel_loop3A_155] {strides = array<i32>} : memref<64x128xf32, #tpu.memory_space<vmem>>, vector<1x16xf32>,
      %parallel_loop3A_157 = vector.shape_cast %parallel_loop3A_156 : vector<1x16xf32> to vector<16xf32>
      %parallel_loop3A_158 = vector.shape_cast %parallel_loop3A_153 : vector<16xf32> to vector<1x16xf32>
      tpu.vector_store %arg12[%parallel_loop3A_154, %parallel_loop3A_155], %parallel_loop3A_158 {add = true, strides = array<i32>} : memref<64x128xf32, #tpu.memory_space<vmem>>, vector<1x16xf32>,
      %parallel_loop3A_159 = arith.index_cast %parallel_loop3A_140 : i32 to index
      %parallel_loop3A_160 = arith.constant 32 : index
      %parallel_loop3A_161 = tpu.vector_load %arg10[%parallel_loop3A_159, %parallel_loop3A_160] {strides = array<i32>} : memref<64x128xf32, #tpu.memory_space<vmem>>, vector<1x16xf32>,
      %parallel_loop3A_162 = vector.shape_cast %parallel_loop3A_161 : vector<1x16xf32> to vector<16xf32>
      %parallel_loop3A_163 = arith.index_cast %parallel_loop3A_140 : i32 to index
      %parallel_loop3A_164 = arith.constant 32 : index
      %parallel_loop3A_165 = tpu.vector_load %arg12[%parallel_loop3A_163, %parallel_loop3A_164] {strides = array<i32>} : memref<64x128xf32, #tpu.memory_space<vmem>>, vector<1x16xf32>,
      %parallel_loop3A_166 = vector.shape_cast %parallel_loop3A_165 : vector<1x16xf32> to vector<16xf32>
      %parallel_loop3A_167 = vector.shape_cast %parallel_loop3A_162 : vector<16xf32> to vector<1x16xf32>
      tpu.vector_store %arg12[%parallel_loop3A_163, %parallel_loop3A_164], %parallel_loop3A_167 {add = true, strides = array<i32>} : memref<64x128xf32, #tpu.memory_space<vmem>>, vector<1x16xf32>,
      %parallel_loop3A_168 = arith.index_cast %parallel_loop3A_140 : i32 to index
      %parallel_loop3A_169 = arith.constant 48 : index
      %parallel_loop3A_170 = tpu.vector_load %arg10[%parallel_loop3A_168, %parallel_loop3A_169] {strides = array<i32>} : memref<64x128xf32, #tpu.memory_space<vmem>>, vector<1x16xf32>,
      %parallel_loop3A_171 = vector.shape_cast %parallel_loop3A_170 : vector<1x16xf32> to vector<16xf32>
      %parallel_loop3A_172 = arith.index_cast %parallel_loop3A_140 : i32 to index
      %parallel_loop3A_173 = arith.constant 48 : index
      %parallel_loop3A_174 = tpu.vector_load %arg12[%parallel_loop3A_172, %parallel_loop3A_173] {strides = array<i32>} : memref<64x128xf32, #tpu.memory_space<vmem>>, vector<1x16xf32>,
      %parallel_loop3A_175 = vector.shape_cast %parallel_loop3A_174 : vector<1x16xf32> to vector<16xf32>
      %parallel_loop3A_176 = vector.shape_cast %parallel_loop3A_171 : vector<16xf32> to vector<1x16xf32>
      tpu.vector_store %arg12[%parallel_loop3A_172, %parallel_loop3A_173], %parallel_loop3A_176 {add = true, strides = array<i32>} : memref<64x128xf32, #tpu.memory_space<vmem>>, vector<1x16xf32>,
      %parallel_loop3A_177 = arith.index_cast %parallel_loop3A_140 : i32 to index
      %parallel_loop3A_178 = arith.constant 64 : index
      %parallel_loop3A_179 = tpu.vector_load %arg10[%parallel_loop3A_177, %parallel_loop3A_178] {strides = array<i32>} : memref<64x128xf32, #tpu.memory_space<vmem>>, vector<1x16xf32>,
      %parallel_loop3A_180 = vector.shape_cast %parallel_loop3A_179 : vector<1x16xf32> to vector<16xf32>
      %parallel_loop3A_181 = arith.index_cast %parallel_loop3A_140 : i32 to index
      %parallel_loop3A_182 = arith.constant 64 : index
      %parallel_loop3A_183 = tpu.vector_load %arg12[%parallel_loop3A_181, %parallel_loop3A_182] {strides = array<i32>} : memref<64x128xf32, #tpu.memory_space<vmem>>, vector<1x16xf32>,
      %parallel_loop3A_184 = vector.shape_cast %parallel_loop3A_183 : vector<1x16xf32> to vector<16xf32>
      %parallel_loop3A_185 = vector.shape_cast %parallel_loop3A_180 : vector<16xf32> to vector<1x16xf32>
      tpu.vector_store %arg12[%parallel_loop3A_181, %parallel_loop3A_182], %parallel_loop3A_185 {add = true, strides = array<i32>} : memref<64x128xf32, #tpu.memory_space<vmem>>, vector<1x16xf32>,
      %parallel_loop3A_186 = arith.index_cast %parallel_loop3A_140 : i32 to index
      %parallel_loop3A_187 = arith.constant 80 : index
      %parallel_loop3A_188 = tpu.vector_load %arg10[%parallel_loop3A_186, %parallel_loop3A_187] {strides = array<i32>} : memref<64x128xf32, #tpu.memory_space<vmem>>, vector<1x16xf32>,
      %parallel_loop3A_189 = vector.shape_cast %parallel_loop3A_188 : vector<1x16xf32> to vector<16xf32>
      %parallel_loop3A_190 = arith.index_cast %parallel_loop3A_140 : i32 to index
      %parallel_loop3A_191 = arith.constant 80 : index
      %parallel_loop3A_192 = tpu.vector_load %arg12[%parallel_loop3A_190, %parallel_loop3A_191] {strides = array<i32>} : memref<64x128xf32, #tpu.memory_space<vmem>>, vector<1x16xf32>,
      %parallel_loop3A_193 = vector.shape_cast %parallel_loop3A_192 : vector<1x16xf32> to vector<16xf32>
      %parallel_loop3A_194 = vector.shape_cast %parallel_loop3A_189 : vector<16xf32> to vector<1x16xf32>
      tpu.vector_store %arg12[%parallel_loop3A_190, %parallel_loop3A_191], %parallel_loop3A_194 {add = true, strides = array<i32>} : memref<64x128xf32, #tpu.memory_space<vmem>>, vector<1x16xf32>,
      %parallel_loop3A_195 = arith.index_cast %parallel_loop3A_140 : i32 to index
      %parallel_loop3A_196 = arith.constant 96 : index
      %parallel_loop3A_197 = tpu.vector_load %arg10[%parallel_loop3A_195, %parallel_loop3A_196] {strides = array<i32>} : memref<64x128xf32, #tpu.memory_space<vmem>>, vector<1x16xf32>,
      %parallel_loop3A_198 = vector.shape_cast %parallel_loop3A_197 : vector<1x16xf32> to vector<16xf32>
      %parallel_loop3A_199 = arith.index_cast %parallel_loop3A_140 : i32 to index
      %parallel_loop3A_200 = arith.constant 96 : index
      %parallel_loop3A_201 = tpu.vector_load %arg12[%parallel_loop3A_199, %parallel_loop3A_200] {strides = array<i32>} : memref<64x128xf32, #tpu.memory_space<vmem>>, vector<1x16xf32>,
      %parallel_loop3A_202 = vector.shape_cast %parallel_loop3A_201 : vector<1x16xf32> to vector<16xf32>
      %parallel_loop3A_203 = vector.shape_cast %parallel_loop3A_198 : vector<16xf32> to vector<1x16xf32>
      tpu.vector_store %arg12[%parallel_loop3A_199, %parallel_loop3A_200], %parallel_loop3A_203 {add = true, strides = array<i32>} : memref<64x128xf32, #tpu.memory_space<vmem>>, vector<1x16xf32>,
      %parallel_loop3A_204 = arith.index_cast %parallel_loop3A_140 : i32 to index
      %parallel_loop3A_205 = arith.constant 112 : index
      %parallel_loop3A_206 = tpu.vector_load %arg10[%parallel_loop3A_204, %parallel_loop3A_205] {strides = array<i32>} : memref<64x128xf32, #tpu.memory_space<vmem>>, vector<1x16xf32>,
      %parallel_loop3A_207 = vector.shape_cast %parallel_loop3A_206 : vector<1x16xf32> to vector<16xf32>
      %parallel_loop3A_208 = arith.index_cast %parallel_loop3A_140 : i32 to index
      %parallel_loop3A_209 = arith.constant 112 : index
      %parallel_loop3A_210 = tpu.vector_load %arg12[%parallel_loop3A_208, %parallel_loop3A_209] {strides = array<i32>} : memref<64x128xf32, #tpu.memory_space<vmem>>, vector<1x16xf32>,
      %parallel_loop3A_211 = vector.shape_cast %parallel_loop3A_210 : vector<1x16xf32> to vector<16xf32>
      %parallel_loop3A_212 = vector.shape_cast %parallel_loop3A_207 : vector<16xf32> to vector<1x16xf32>
      tpu.vector_store %arg12[%parallel_loop3A_208, %parallel_loop3A_209], %parallel_loop3A_212 {add = true, strides = array<i32>} : memref<64x128xf32, #tpu.memory_space<vmem>>, vector<1x16xf32>,
    } {sc.loop_unroll_factor = 2 : i64, sc.parallel_access}
    %dma_start3A_79 = arith.constant 1 : i32
    %dma_start3A_80 = arith.constant 0 : i32
    %dma_start3A_81 = tpu.memref_slice %arg5[%dma_start3A_79, %mul3A_2, %dma_start3A_80] : memref<4x2048x128xf32, #tpu.memory_space<hbm>> -> memref<1x64x128xf32, #tpu.memory_space<hbm>>
    %dma_start3A_82 = tpu.memref_squeeze %dma_start3A_81 : memref<1x64x128xf32, #tpu.memory_space<hbm>> -> memref<64x128xf32, #tpu.memory_space<hbm>>
    %dma_start3A_83 = arith.constant 0 : i32
    %dma_start3A_84 = tpu.memref_slice %arg5[%dma_start3A_79, %mul3A_2, %dma_start3A_83] : memref<4x2048x128xf32, #tpu.memory_space<hbm>> -> memref<1x64x128xf32, #tpu.memory_space<hbm>>
    %dma_start3A_85 = tpu.memref_squeeze %dma_start3A_84 : memref<1x64x128xf32, #tpu.memory_space<hbm>> -> memref<64x128xf32, #tpu.memory_space<hbm>>
    tpu.enqueue_dma source(%arg12 : memref<64x128xf32, #tpu.memory_space<vmem>>) target(%dma_start3A_85 : memref<64x128xf32, #tpu.memory_space<hbm>>) target_semaphore(%arg21 : memref<!tpu.dma_semaphore, #tpu.memory_space<semaphore_mem>>)
    %dma_wait3A_86 = arith.constant 0 : i32
    %dma_wait3A_87 = arith.constant 0 : i32
    %dma_wait3A_88 = tpu.memref_slice %arg3[%dma_wait3A_86, %dma_wait3A_87] : memref<100000x128xf32, #tpu.memory_space<hbm>> -> memref<100000x128xf32, #tpu.memory_space<hbm>>
    tpu.wait_indirect_dma semaphore(%arg17 : memref<!tpu.dma_semaphore, #tpu.memory_space<semaphore_mem>>) src(%dma_wait3A_88 : memref<100000x128xf32, #tpu.memory_space<hbm>>) dst(%arg13 : memref<64x128xf32, #tpu.memory_space<vmem>>)
    %parallel_loop3A_89 = arith.constant 0 : i32
    %parallel_loop3A_90 = arith.constant 64 : i32
    %parallel_loop3A_91 = arith.constant 1 : i32
    scf.for %parallel_loop3A_140 = %parallel_loop3A_89 to %parallel_loop3A_90 step %parallel_loop3A_91  : i32 {
      %parallel_loop3A_141 = arith.index_cast %parallel_loop3A_140 : i32 to index
      %parallel_loop3A_142 = arith.constant 0 : index
      %parallel_loop3A_143 = tpu.vector_load %arg10[%parallel_loop3A_141, %parallel_loop3A_142] {strides = array<i32>} : memref<64x128xf32, #tpu.memory_space<vmem>>, vector<1x16xf32>,
      %parallel_loop3A_144 = vector.shape_cast %parallel_loop3A_143 : vector<1x16xf32> to vector<16xf32>
      %parallel_loop3A_145 = arith.index_cast %parallel_loop3A_140 : i32 to index
      %parallel_loop3A_146 = arith.constant 0 : index
      %parallel_loop3A_147 = tpu.vector_load %arg13[%parallel_loop3A_145, %parallel_loop3A_146] {strides = array<i32>} : memref<64x128xf32, #tpu.memory_space<vmem>>, vector<1x16xf32>,
      %parallel_loop3A_148 = vector.shape_cast %parallel_loop3A_147 : vector<1x16xf32> to vector<16xf32>
      %parallel_loop3A_149 = vector.shape_cast %parallel_loop3A_144 : vector<16xf32> to vector<1x16xf32>
      tpu.vector_store %arg13[%parallel_loop3A_145, %parallel_loop3A_146], %parallel_loop3A_149 {add = true, strides = array<i32>} : memref<64x128xf32, #tpu.memory_space<vmem>>, vector<1x16xf32>,
      %parallel_loop3A_150 = arith.index_cast %parallel_loop3A_140 : i32 to index
      %parallel_loop3A_151 = arith.constant 16 : index
      %parallel_loop3A_152 = tpu.vector_load %arg10[%parallel_loop3A_150, %parallel_loop3A_151] {strides = array<i32>} : memref<64x128xf32, #tpu.memory_space<vmem>>, vector<1x16xf32>,
      %parallel_loop3A_153 = vector.shape_cast %parallel_loop3A_152 : vector<1x16xf32> to vector<16xf32>
      %parallel_loop3A_154 = arith.index_cast %parallel_loop3A_140 : i32 to index
      %parallel_loop3A_155 = arith.constant 16 : index
      %parallel_loop3A_156 = tpu.vector_load %arg13[%parallel_loop3A_154, %parallel_loop3A_155] {strides = array<i32>} : memref<64x128xf32, #tpu.memory_space<vmem>>, vector<1x16xf32>,
      %parallel_loop3A_157 = vector.shape_cast %parallel_loop3A_156 : vector<1x16xf32> to vector<16xf32>
      %parallel_loop3A_158 = vector.shape_cast %parallel_loop3A_153 : vector<16xf32> to vector<1x16xf32>
      tpu.vector_store %arg13[%parallel_loop3A_154, %parallel_loop3A_155], %parallel_loop3A_158 {add = true, strides = array<i32>} : memref<64x128xf32, #tpu.memory_space<vmem>>, vector<1x16xf32>,
      %parallel_loop3A_159 = arith.index_cast %parallel_loop3A_140 : i32 to index
      %parallel_loop3A_160 = arith.constant 32 : index
      %parallel_loop3A_161 = tpu.vector_load %arg10[%parallel_loop3A_159, %parallel_loop3A_160] {strides = array<i32>} : memref<64x128xf32, #tpu.memory_space<vmem>>, vector<1x16xf32>,
      %parallel_loop3A_162 = vector.shape_cast %parallel_loop3A_161 : vector<1x16xf32> to vector<16xf32>
      %parallel_loop3A_163 = arith.index_cast %parallel_loop3A_140 : i32 to index
      %parallel_loop3A_164 = arith.constant 32 : index
      %parallel_loop3A_165 = tpu.vector_load %arg13[%parallel_loop3A_163, %parallel_loop3A_164] {strides = array<i32>} : memref<64x128xf32, #tpu.memory_space<vmem>>, vector<1x16xf32>,
      %parallel_loop3A_166 = vector.shape_cast %parallel_loop3A_165 : vector<1x16xf32> to vector<16xf32>
      %parallel_loop3A_167 = vector.shape_cast %parallel_loop3A_162 : vector<16xf32> to vector<1x16xf32>
      tpu.vector_store %arg13[%parallel_loop3A_163, %parallel_loop3A_164], %parallel_loop3A_167 {add = true, strides = array<i32>} : memref<64x128xf32, #tpu.memory_space<vmem>>, vector<1x16xf32>,
      %parallel_loop3A_168 = arith.index_cast %parallel_loop3A_140 : i32 to index
      %parallel_loop3A_169 = arith.constant 48 : index
      %parallel_loop3A_170 = tpu.vector_load %arg10[%parallel_loop3A_168, %parallel_loop3A_169] {strides = array<i32>} : memref<64x128xf32, #tpu.memory_space<vmem>>, vector<1x16xf32>,
      %parallel_loop3A_171 = vector.shape_cast %parallel_loop3A_170 : vector<1x16xf32> to vector<16xf32>
      %parallel_loop3A_172 = arith.index_cast %parallel_loop3A_140 : i32 to index
      %parallel_loop3A_173 = arith.constant 48 : index
      %parallel_loop3A_174 = tpu.vector_load %arg13[%parallel_loop3A_172, %parallel_loop3A_173] {strides = array<i32>} : memref<64x128xf32, #tpu.memory_space<vmem>>, vector<1x16xf32>,
      %parallel_loop3A_175 = vector.shape_cast %parallel_loop3A_174 : vector<1x16xf32> to vector<16xf32>
      %parallel_loop3A_176 = vector.shape_cast %parallel_loop3A_171 : vector<16xf32> to vector<1x16xf32>
      tpu.vector_store %arg13[%parallel_loop3A_172, %parallel_loop3A_173], %parallel_loop3A_176 {add = true, strides = array<i32>} : memref<64x128xf32, #tpu.memory_space<vmem>>, vector<1x16xf32>,
      %parallel_loop3A_177 = arith.index_cast %parallel_loop3A_140 : i32 to index
      %parallel_loop3A_178 = arith.constant 64 : index
      %parallel_loop3A_179 = tpu.vector_load %arg10[%parallel_loop3A_177, %parallel_loop3A_178] {strides = array<i32>} : memref<64x128xf32, #tpu.memory_space<vmem>>, vector<1x16xf32>,
      %parallel_loop3A_180 = vector.shape_cast %parallel_loop3A_179 : vector<1x16xf32> to vector<16xf32>
      %parallel_loop3A_181 = arith.index_cast %parallel_loop3A_140 : i32 to index
      %parallel_loop3A_182 = arith.constant 64 : index
      %parallel_loop3A_183 = tpu.vector_load %arg13[%parallel_loop3A_181, %parallel_loop3A_182] {strides = array<i32>} : memref<64x128xf32, #tpu.memory_space<vmem>>, vector<1x16xf32>,
      %parallel_loop3A_184 = vector.shape_cast %parallel_loop3A_183 : vector<1x16xf32> to vector<16xf32>
      %parallel_loop3A_185 = vector.shape_cast %parallel_loop3A_180 : vector<16xf32> to vector<1x16xf32>
      tpu.vector_store %arg13[%parallel_loop3A_181, %parallel_loop3A_182], %parallel_loop3A_185 {add = true, strides = array<i32>} : memref<64x128xf32, #tpu.memory_space<vmem>>, vector<1x16xf32>,
      %parallel_loop3A_186 = arith.index_cast %parallel_loop3A_140 : i32 to index
      %parallel_loop3A_187 = arith.constant 80 : index
      %parallel_loop3A_188 = tpu.vector_load %arg10[%parallel_loop3A_186, %parallel_loop3A_187] {strides = array<i32>} : memref<64x128xf32, #tpu.memory_space<vmem>>, vector<1x16xf32>,
      %parallel_loop3A_189 = vector.shape_cast %parallel_loop3A_188 : vector<1x16xf32> to vector<16xf32>
      %parallel_loop3A_190 = arith.index_cast %parallel_loop3A_140 : i32 to index
      %parallel_loop3A_191 = arith.constant 80 : index
      %parallel_loop3A_192 = tpu.vector_load %arg13[%parallel_loop3A_190, %parallel_loop3A_191] {strides = array<i32>} : memref<64x128xf32, #tpu.memory_space<vmem>>, vector<1x16xf32>,
      %parallel_loop3A_193 = vector.shape_cast %parallel_loop3A_192 : vector<1x16xf32> to vector<16xf32>
      %parallel_loop3A_194 = vector.shape_cast %parallel_loop3A_189 : vector<16xf32> to vector<1x16xf32>
      tpu.vector_store %arg13[%parallel_loop3A_190, %parallel_loop3A_191], %parallel_loop3A_194 {add = true, strides = array<i32>} : memref<64x128xf32, #tpu.memory_space<vmem>>, vector<1x16xf32>,
      %parallel_loop3A_195 = arith.index_cast %parallel_loop3A_140 : i32 to index
      %parallel_loop3A_196 = arith.constant 96 : index
      %parallel_loop3A_197 = tpu.vector_load %arg10[%parallel_loop3A_195, %parallel_loop3A_196] {strides = array<i32>} : memref<64x128xf32, #tpu.memory_space<vmem>>, vector<1x16xf32>,
      %parallel_loop3A_198 = vector.shape_cast %parallel_loop3A_197 : vector<1x16xf32> to vector<16xf32>
      %parallel_loop3A_199 = arith.index_cast %parallel_loop3A_140 : i32 to index
      %parallel_loop3A_200 = arith.constant 96 : index
      %parallel_loop3A_201 = tpu.vector_load %arg13[%parallel_loop3A_199, %parallel_loop3A_200] {strides = array<i32>} : memref<64x128xf32, #tpu.memory_space<vmem>>, vector<1x16xf32>,
      %parallel_loop3A_202 = vector.shape_cast %parallel_loop3A_201 : vector<1x16xf32> to vector<16xf32>
      %parallel_loop3A_203 = vector.shape_cast %parallel_loop3A_198 : vector<16xf32> to vector<1x16xf32>
      tpu.vector_store %arg13[%parallel_loop3A_199, %parallel_loop3A_200], %parallel_loop3A_203 {add = true, strides = array<i32>} : memref<64x128xf32, #tpu.memory_space<vmem>>, vector<1x16xf32>,
      %parallel_loop3A_204 = arith.index_cast %parallel_loop3A_140 : i32 to index
      %parallel_loop3A_205 = arith.constant 112 : index
      %parallel_loop3A_206 = tpu.vector_load %arg10[%parallel_loop3A_204, %parallel_loop3A_205] {strides = array<i32>} : memref<64x128xf32, #tpu.memory_space<vmem>>, vector<1x16xf32>,
      %parallel_loop3A_207 = vector.shape_cast %parallel_loop3A_206 : vector<1x16xf32> to vector<16xf32>
      %parallel_loop3A_208 = arith.index_cast %parallel_loop3A_140 : i32 to index
      %parallel_loop3A_209 = arith.constant 112 : index
      %parallel_loop3A_210 = tpu.vector_load %arg13[%parallel_loop3A_208, %parallel_loop3A_209] {strides = array<i32>} : memref<64x128xf32, #tpu.memory_space<vmem>>, vector<1x16xf32>,
      %parallel_loop3A_211 = vector.shape_cast %parallel_loop3A_210 : vector<1x16xf32> to vector<16xf32>
      %parallel_loop3A_212 = vector.shape_cast %parallel_loop3A_207 : vector<16xf32> to vector<1x16xf32>
      tpu.vector_store %arg13[%parallel_loop3A_208, %parallel_loop3A_209], %parallel_loop3A_212 {add = true, strides = array<i32>} : memref<64x128xf32, #tpu.memory_space<vmem>>, vector<1x16xf32>,
    } {sc.loop_unroll_factor = 2 : i64, sc.parallel_access}
    %dma_start3A_92 = arith.constant 2 : i32
    %dma_start3A_93 = arith.constant 0 : i32
    %dma_start3A_94 = tpu.memref_slice %arg5[%dma_start3A_92, %mul3A_2, %dma_start3A_93] : memref<4x2048x128xf32, #tpu.memory_space<hbm>> -> memref<1x64x128xf32, #tpu.memory_space<hbm>>
    %dma_start3A_95 = tpu.memref_squeeze %dma_start3A_94 : memref<1x64x128xf32, #tpu.memory_space<hbm>> -> memref<64x128xf32, #tpu.memory_space<hbm>>
    %dma_start3A_96 = arith.constant 0 : i32
    %dma_start3A_97 = tpu.memref_slice %arg5[%dma_start3A_92, %mul3A_2, %dma_start3A_96] : memref<4x2048x128xf32, #tpu.memory_space<hbm>> -> memref<1x64x128xf32, #tpu.memory_space<hbm>>
    %dma_start3A_98 = tpu.memref_squeeze %dma_start3A_97 : memref<1x64x128xf32, #tpu.memory_space<hbm>> -> memref<64x128xf32, #tpu.memory_space<hbm>>
    tpu.enqueue_dma source(%arg13 : memref<64x128xf32, #tpu.memory_space<vmem>>) target(%dma_start3A_98 : memref<64x128xf32, #tpu.memory_space<hbm>>) target_semaphore(%arg21 : memref<!tpu.dma_semaphore, #tpu.memory_space<semaphore_mem>>)
    %dma_wait3A_99 = arith.constant 0 : i32
    %dma_wait3A_100 = arith.constant 0 : i32
    %dma_wait3A_101 = tpu.memref_slice %arg3[%dma_wait3A_99, %dma_wait3A_100] : memref<100000x128xf32, #tpu.memory_space<hbm>> -> memref<100000x128xf32, #tpu.memory_space<hbm>>
    tpu.wait_indirect_dma semaphore(%arg18 : memref<!tpu.dma_semaphore, #tpu.memory_space<semaphore_mem>>) src(%dma_wait3A_101 : memref<100000x128xf32, #tpu.memory_space<hbm>>) dst(%arg14 : memref<64x128xf32, #tpu.memory_space<vmem>>)
    %parallel_loop3A_102 = arith.constant 0 : i32
    %parallel_loop3A_103 = arith.constant 64 : i32
    %parallel_loop3A_104 = arith.constant 1 : i32
    scf.for %parallel_loop3A_140 = %parallel_loop3A_102 to %parallel_loop3A_103 step %parallel_loop3A_104  : i32 {
      %parallel_loop3A_141 = arith.index_cast %parallel_loop3A_140 : i32 to index
      %parallel_loop3A_142 = arith.constant 0 : index
      %parallel_loop3A_143 = tpu.vector_load %arg10[%parallel_loop3A_141, %parallel_loop3A_142] {strides = array<i32>} : memref<64x128xf32, #tpu.memory_space<vmem>>, vector<1x16xf32>,
      %parallel_loop3A_144 = vector.shape_cast %parallel_loop3A_143 : vector<1x16xf32> to vector<16xf32>
      %parallel_loop3A_145 = arith.index_cast %parallel_loop3A_140 : i32 to index
      %parallel_loop3A_146 = arith.constant 0 : index
      %parallel_loop3A_147 = tpu.vector_load %arg14[%parallel_loop3A_145, %parallel_loop3A_146] {strides = array<i32>} : memref<64x128xf32, #tpu.memory_space<vmem>>, vector<1x16xf32>,
      %parallel_loop3A_148 = vector.shape_cast %parallel_loop3A_147 : vector<1x16xf32> to vector<16xf32>
      %parallel_loop3A_149 = vector.shape_cast %parallel_loop3A_144 : vector<16xf32> to vector<1x16xf32>
      tpu.vector_store %arg14[%parallel_loop3A_145, %parallel_loop3A_146], %parallel_loop3A_149 {add = true, strides = array<i32>} : memref<64x128xf32, #tpu.memory_space<vmem>>, vector<1x16xf32>,
      %parallel_loop3A_150 = arith.index_cast %parallel_loop3A_140 : i32 to index
      %parallel_loop3A_151 = arith.constant 16 : index
      %parallel_loop3A_152 = tpu.vector_load %arg10[%parallel_loop3A_150, %parallel_loop3A_151] {strides = array<i32>} : memref<64x128xf32, #tpu.memory_space<vmem>>, vector<1x16xf32>,
      %parallel_loop3A_153 = vector.shape_cast %parallel_loop3A_152 : vector<1x16xf32> to vector<16xf32>
      %parallel_loop3A_154 = arith.index_cast %parallel_loop3A_140 : i32 to index
      %parallel_loop3A_155 = arith.constant 16 : index
      %parallel_loop3A_156 = tpu.vector_load %arg14[%parallel_loop3A_154, %parallel_loop3A_155] {strides = array<i32>} : memref<64x128xf32, #tpu.memory_space<vmem>>, vector<1x16xf32>,
      %parallel_loop3A_157 = vector.shape_cast %parallel_loop3A_156 : vector<1x16xf32> to vector<16xf32>
      %parallel_loop3A_158 = vector.shape_cast %parallel_loop3A_153 : vector<16xf32> to vector<1x16xf32>
      tpu.vector_store %arg14[%parallel_loop3A_154, %parallel_loop3A_155], %parallel_loop3A_158 {add = true, strides = array<i32>} : memref<64x128xf32, #tpu.memory_space<vmem>>, vector<1x16xf32>,
      %parallel_loop3A_159 = arith.index_cast %parallel_loop3A_140 : i32 to index
      %parallel_loop3A_160 = arith.constant 32 : index
      %parallel_loop3A_161 = tpu.vector_load %arg10[%parallel_loop3A_159, %parallel_loop3A_160] {strides = array<i32>} : memref<64x128xf32, #tpu.memory_space<vmem>>, vector<1x16xf32>,
      %parallel_loop3A_162 = vector.shape_cast %parallel_loop3A_161 : vector<1x16xf32> to vector<16xf32>
      %parallel_loop3A_163 = arith.index_cast %parallel_loop3A_140 : i32 to index
      %parallel_loop3A_164 = arith.constant 32 : index
      %parallel_loop3A_165 = tpu.vector_load %arg14[%parallel_loop3A_163, %parallel_loop3A_164] {strides = array<i32>} : memref<64x128xf32, #tpu.memory_space<vmem>>, vector<1x16xf32>,
      %parallel_loop3A_166 = vector.shape_cast %parallel_loop3A_165 : vector<1x16xf32> to vector<16xf32>
      %parallel_loop3A_167 = vector.shape_cast %parallel_loop3A_162 : vector<16xf32> to vector<1x16xf32>
      tpu.vector_store %arg14[%parallel_loop3A_163, %parallel_loop3A_164], %parallel_loop3A_167 {add = true, strides = array<i32>} : memref<64x128xf32, #tpu.memory_space<vmem>>, vector<1x16xf32>,
      %parallel_loop3A_168 = arith.index_cast %parallel_loop3A_140 : i32 to index
      %parallel_loop3A_169 = arith.constant 48 : index
      %parallel_loop3A_170 = tpu.vector_load %arg10[%parallel_loop3A_168, %parallel_loop3A_169] {strides = array<i32>} : memref<64x128xf32, #tpu.memory_space<vmem>>, vector<1x16xf32>,
      %parallel_loop3A_171 = vector.shape_cast %parallel_loop3A_170 : vector<1x16xf32> to vector<16xf32>
      %parallel_loop3A_172 = arith.index_cast %parallel_loop3A_140 : i32 to index
      %parallel_loop3A_173 = arith.constant 48 : index
      %parallel_loop3A_174 = tpu.vector_load %arg14[%parallel_loop3A_172, %parallel_loop3A_173] {strides = array<i32>} : memref<64x128xf32, #tpu.memory_space<vmem>>, vector<1x16xf32>,
      %parallel_loop3A_175 = vector.shape_cast %parallel_loop3A_174 : vector<1x16xf32> to vector<16xf32>
      %parallel_loop3A_176 = vector.shape_cast %parallel_loop3A_171 : vector<16xf32> to vector<1x16xf32>
      tpu.vector_store %arg14[%parallel_loop3A_172, %parallel_loop3A_173], %parallel_loop3A_176 {add = true, strides = array<i32>} : memref<64x128xf32, #tpu.memory_space<vmem>>, vector<1x16xf32>,
      %parallel_loop3A_177 = arith.index_cast %parallel_loop3A_140 : i32 to index
      %parallel_loop3A_178 = arith.constant 64 : index
      %parallel_loop3A_179 = tpu.vector_load %arg10[%parallel_loop3A_177, %parallel_loop3A_178] {strides = array<i32>} : memref<64x128xf32, #tpu.memory_space<vmem>>, vector<1x16xf32>,
      %parallel_loop3A_180 = vector.shape_cast %parallel_loop3A_179 : vector<1x16xf32> to vector<16xf32>
      %parallel_loop3A_181 = arith.index_cast %parallel_loop3A_140 : i32 to index
      %parallel_loop3A_182 = arith.constant 64 : index
      %parallel_loop3A_183 = tpu.vector_load %arg14[%parallel_loop3A_181, %parallel_loop3A_182] {strides = array<i32>} : memref<64x128xf32, #tpu.memory_space<vmem>>, vector<1x16xf32>,
      %parallel_loop3A_184 = vector.shape_cast %parallel_loop3A_183 : vector<1x16xf32> to vector<16xf32>
      %parallel_loop3A_185 = vector.shape_cast %parallel_loop3A_180 : vector<16xf32> to vector<1x16xf32>
      tpu.vector_store %arg14[%parallel_loop3A_181, %parallel_loop3A_182], %parallel_loop3A_185 {add = true, strides = array<i32>} : memref<64x128xf32, #tpu.memory_space<vmem>>, vector<1x16xf32>,
      %parallel_loop3A_186 = arith.index_cast %parallel_loop3A_140 : i32 to index
      %parallel_loop3A_187 = arith.constant 80 : index
      %parallel_loop3A_188 = tpu.vector_load %arg10[%parallel_loop3A_186, %parallel_loop3A_187] {strides = array<i32>} : memref<64x128xf32, #tpu.memory_space<vmem>>, vector<1x16xf32>,
      %parallel_loop3A_189 = vector.shape_cast %parallel_loop3A_188 : vector<1x16xf32> to vector<16xf32>
      %parallel_loop3A_190 = arith.index_cast %parallel_loop3A_140 : i32 to index
      %parallel_loop3A_191 = arith.constant 80 : index
      %parallel_loop3A_192 = tpu.vector_load %arg14[%parallel_loop3A_190, %parallel_loop3A_191] {strides = array<i32>} : memref<64x128xf32, #tpu.memory_space<vmem>>, vector<1x16xf32>,
      %parallel_loop3A_193 = vector.shape_cast %parallel_loop3A_192 : vector<1x16xf32> to vector<16xf32>
      %parallel_loop3A_194 = vector.shape_cast %parallel_loop3A_189 : vector<16xf32> to vector<1x16xf32>
      tpu.vector_store %arg14[%parallel_loop3A_190, %parallel_loop3A_191], %parallel_loop3A_194 {add = true, strides = array<i32>} : memref<64x128xf32, #tpu.memory_space<vmem>>, vector<1x16xf32>,
      %parallel_loop3A_195 = arith.index_cast %parallel_loop3A_140 : i32 to index
      %parallel_loop3A_196 = arith.constant 96 : index
      %parallel_loop3A_197 = tpu.vector_load %arg10[%parallel_loop3A_195, %parallel_loop3A_196] {strides = array<i32>} : memref<64x128xf32, #tpu.memory_space<vmem>>, vector<1x16xf32>,
      %parallel_loop3A_198 = vector.shape_cast %parallel_loop3A_197 : vector<1x16xf32> to vector<16xf32>
      %parallel_loop3A_199 = arith.index_cast %parallel_loop3A_140 : i32 to index
      %parallel_loop3A_200 = arith.constant 96 : index
      %parallel_loop3A_201 = tpu.vector_load %arg14[%parallel_loop3A_199, %parallel_loop3A_200] {strides = array<i32>} : memref<64x128xf32, #tpu.memory_space<vmem>>, vector<1x16xf32>,
      %parallel_loop3A_202 = vector.shape_cast %parallel_loop3A_201 : vector<1x16xf32> to vector<16xf32>
      %parallel_loop3A_203 = vector.shape_cast %parallel_loop3A_198 : vector<16xf32> to vector<1x16xf32>
      tpu.vector_store %arg14[%parallel_loop3A_199, %parallel_loop3A_200], %parallel_loop3A_203 {add = true, strides = array<i32>} : memref<64x128xf32, #tpu.memory_space<vmem>>, vector<1x16xf32>,
      %parallel_loop3A_204 = arith.index_cast %parallel_loop3A_140 : i32 to index
      %parallel_loop3A_205 = arith.constant 112 : index
      %parallel_loop3A_206 = tpu.vector_load %arg10[%parallel_loop3A_204, %parallel_loop3A_205] {strides = array<i32>} : memref<64x128xf32, #tpu.memory_space<vmem>>, vector<1x16xf32>,
      %parallel_loop3A_207 = vector.shape_cast %parallel_loop3A_206 : vector<1x16xf32> to vector<16xf32>
      %parallel_loop3A_208 = arith.index_cast %parallel_loop3A_140 : i32 to index
      %parallel_loop3A_209 = arith.constant 112 : index
      %parallel_loop3A_210 = tpu.vector_load %arg14[%parallel_loop3A_208, %parallel_loop3A_209] {strides = array<i32>} : memref<64x128xf32, #tpu.memory_space<vmem>>, vector<1x16xf32>,
      %parallel_loop3A_211 = vector.shape_cast %parallel_loop3A_210 : vector<1x16xf32> to vector<16xf32>
      %parallel_loop3A_212 = vector.shape_cast %parallel_loop3A_207 : vector<16xf32> to vector<1x16xf32>
      tpu.vector_store %arg14[%parallel_loop3A_208, %parallel_loop3A_209], %parallel_loop3A_212 {add = true, strides = array<i32>} : memref<64x128xf32, #tpu.memory_space<vmem>>, vector<1x16xf32>,
    } {sc.loop_unroll_factor = 2 : i64, sc.parallel_access}
    %dma_start3A_105 = arith.constant 3 : i32
    %dma_start3A_106 = arith.constant 0 : i32
    %dma_start3A_107 = tpu.memref_slice %arg5[%dma_start3A_105, %mul3A_2, %dma_start3A_106] : memref<4x2048x128xf32, #tpu.memory_space<hbm>> -> memref<1x64x128xf32, #tpu.memory_space<hbm>>
    %dma_start3A_108 = tpu.memref_squeeze %dma_start3A_107 : memref<1x64x128xf32, #tpu.memory_space<hbm>> -> memref<64x128xf32, #tpu.memory_space<hbm>>
    %dma_start3A_109 = arith.constant 0 : i32
    %dma_start3A_110 = tpu.memref_slice %arg5[%dma_start3A_105, %mul3A_2, %dma_start3A_109] : memref<4x2048x128xf32, #tpu.memory_space<hbm>> -> memref<1x64x128xf32, #tpu.memory_space<hbm>>
    %dma_start3A_111 = tpu.memref_squeeze %dma_start3A_110 : memref<1x64x128xf32, #tpu.memory_space<hbm>> -> memref<64x128xf32, #tpu.memory_space<hbm>>
    tpu.enqueue_dma source(%arg14 : memref<64x128xf32, #tpu.memory_space<vmem>>) target(%dma_start3A_111 : memref<64x128xf32, #tpu.memory_space<hbm>>) target_semaphore(%arg21 : memref<!tpu.dma_semaphore, #tpu.memory_space<semaphore_mem>>)
    %dma_wait3A_112 = arith.constant 0 : i32
    %dma_wait3A_113 = arith.constant 0 : i32
    %dma_wait3A_114 = tpu.memref_slice %arg5[%dma_wait3A_112, %mul3A_2, %dma_wait3A_113] : memref<4x2048x128xf32, #tpu.memory_space<hbm>> -> memref<1x64x128xf32, #tpu.memory_space<hbm>>
    %dma_wait3A_115 = tpu.memref_squeeze %dma_wait3A_114 : memref<1x64x128xf32, #tpu.memory_space<hbm>> -> memref<64x128xf32, #tpu.memory_space<hbm>>
    %dma_wait3A_116 = arith.constant 0 : i32
    %dma_wait3A_117 = tpu.memref_slice %arg5[%dma_wait3A_112, %mul3A_2, %dma_wait3A_116] : memref<4x2048x128xf32, #tpu.memory_space<hbm>> -> memref<1x64x128xf32, #tpu.memory_space<hbm>>
    %dma_wait3A_118 = tpu.memref_squeeze %dma_wait3A_117 : memref<1x64x128xf32, #tpu.memory_space<hbm>> -> memref<64x128xf32, #tpu.memory_space<hbm>>
    tpu.wait_dma2 semaphore(%arg21 : memref<!tpu.dma_semaphore, #tpu.memory_space<semaphore_mem>>) src(%arg11 : memref<64x128xf32, #tpu.memory_space<vmem>>) dst(%dma_wait3A_118 : memref<64x128xf32, #tpu.memory_space<hbm>>)
    %dma_wait3A_119 = arith.constant 1 : i32
    %dma_wait3A_120 = arith.constant 0 : i32
    %dma_wait3A_121 = tpu.memref_slice %arg5[%dma_wait3A_119, %mul3A_2, %dma_wait3A_120] : memref<4x2048x128xf32, #tpu.memory_space<hbm>> -> memref<1x64x128xf32, #tpu.memory_space<hbm>>
    %dma_wait3A_122 = tpu.memref_squeeze %dma_wait3A_121 : memref<1x64x128xf32, #tpu.memory_space<hbm>> -> memref<64x128xf32, #tpu.memory_space<hbm>>
    %dma_wait3A_123 = arith.constant 0 : i32
    %dma_wait3A_124 = tpu.memref_slice %arg5[%dma_wait3A_119, %mul3A_2, %dma_wait3A_123] : memref<4x2048x128xf32, #tpu.memory_space<hbm>> -> memref<1x64x128xf32, #tpu.memory_space<hbm>>
    %dma_wait3A_125 = tpu.memref_squeeze %dma_wait3A_124 : memref<1x64x128xf32, #tpu.memory_space<hbm>> -> memref<64x128xf32, #tpu.memory_space<hbm>>
    tpu.wait_dma2 semaphore(%arg21 : memref<!tpu.dma_semaphore, #tpu.memory_space<semaphore_mem>>) src(%arg12 : memref<64x128xf32, #tpu.memory_space<vmem>>) dst(%dma_wait3A_125 : memref<64x128xf32, #tpu.memory_space<hbm>>)
    %dma_wait3A_126 = arith.constant 2 : i32
    %dma_wait3A_127 = arith.constant 0 : i32
    %dma_wait3A_128 = tpu.memref_slice %arg5[%dma_wait3A_126, %mul3A_2, %dma_wait3A_127] : memref<4x2048x128xf32, #tpu.memory_space<hbm>> -> memref<1x64x128xf32, #tpu.memory_space<hbm>>
    %dma_wait3A_129 = tpu.memref_squeeze %dma_wait3A_128 : memref<1x64x128xf32, #tpu.memory_space<hbm>> -> memref<64x128xf32, #tpu.memory_space<hbm>>
    %dma_wait3A_130 = arith.constant 0 : i32
    %dma_wait3A_131 = tpu.memref_slice %arg5[%dma_wait3A_126, %mul3A_2, %dma_wait3A_130] : memref<4x2048x128xf32, #tpu.memory_space<hbm>> -> memref<1x64x128xf32, #tpu.memory_space<hbm>>
    %dma_wait3A_132 = tpu.memref_squeeze %dma_wait3A_131 : memref<1x64x128xf32, #tpu.memory_space<hbm>> -> memref<64x128xf32, #tpu.memory_space<hbm>>
    tpu.wait_dma2 semaphore(%arg21 : memref<!tpu.dma_semaphore, #tpu.memory_space<semaphore_mem>>) src(%arg13 : memref<64x128xf32, #tpu.memory_space<vmem>>) dst(%dma_wait3A_132 : memref<64x128xf32, #tpu.memory_space<hbm>>)
    %dma_wait3A_133 = arith.constant 3 : i32
    %dma_wait3A_134 = arith.constant 0 : i32
    %dma_wait3A_135 = tpu.memref_slice %arg5[%dma_wait3A_133, %mul3A_2, %dma_wait3A_134] : memref<4x2048x128xf32, #tpu.memory_space<hbm>> -> memref<1x64x128xf32, #tpu.memory_space<hbm>>
    %dma_wait3A_136 = tpu.memref_squeeze %dma_wait3A_135 : memref<1x64x128xf32, #tpu.memory_space<hbm>> -> memref<64x128xf32, #tpu.memory_space<hbm>>
    %dma_wait3A_137 = arith.constant 0 : i32
    %dma_wait3A_138 = tpu.memref_slice %arg5[%dma_wait3A_133, %mul3A_2, %dma_wait3A_137] : memref<4x2048x128xf32, #tpu.memory_space<hbm>> -> memref<1x64x128xf32, #tpu.memory_space<hbm>>
    %dma_wait3A_139 = tpu.memref_squeeze %dma_wait3A_138 : memref<1x64x128xf32, #tpu.memory_space<hbm>> -> memref<64x128xf32, #tpu.memory_space<hbm>>
    tpu.wait_dma2 semaphore(%arg21 : memref<!tpu.dma_semaphore, #tpu.memory_space<semaphore_mem>>) src(%arg14 : memref<64x128xf32, #tpu.memory_space<vmem>>) dst(%dma_wait3A_139 : memref<64x128xf32, #tpu.memory_space<hbm>>)
    return
  }
}

</mosaic_0001>

<sc_bundles>
// kernel: kernel.3.cloned.1.call-start
scs
__scs_entry_jumppad:
0x0: {  	(pc) =	sbr.rel $0x88, $3  }
0x1: {  	(tag) =	ssettag $0x0;
	lr =	simm.s32 $0x1  }
0x2: {  	[smem:$0x3F9E] =	sst lr;
	_ =	strace $0xD0000000  }
0x3: {  	_ = 	snop  }
0x4: {  	_ = 	snop  }
0x5: {  	_ = 	snop  }
0x6: {  	_ = 	snop  }
0x7: {  	_ = 	snop  }
__scs_overlays_trampoline_lowered:
0x8: {  	[smem:$0x3FAD] =	sst s0  }
0x9: {  	[smem:$0x3FAE] =	sst s1  }
0xa: {  	[smem:$0x3FAF] =	sst s2  }
0xb: {  	[smem:$0x3FB0] =	sst s3  }
0xc: {  	[smem:$0x3FB1] =	sst s4  }
0xd: {  	[smem:$0x3FB2] =	sst s5  }
0xe: {  	[smem:$0x3FB3] =	sst s6  }
0xf: {  	[smem:$0x3FB4] =	sst s7  }
0x10: {  	[smem:$0x3FB5] =	sst s8  }
0x11: {  	[smem:$0x3FB6] =	sst s9;
	s0 =	simm.s32 @!p0 $0x0  }
0x12: {  	s1 =	sld [smem:$0x3F9C];
	s0 =	simm.s32 @p0 $0x1  }
0x13: {  	[smem:$0x3FB7] =	sst s0;
	s0 =	simm.s32 @!p1 $0x0  }
0x14: {  	s2 =	sld [smem:$0x3F9B];
	s0 =	simm.s32 @p1 $0x1  }
0x15: {  	[smem:$0x3FB8] =	sst s0;
	s0 =	simm.s32 @!p2 $0x0  }
0x16: {  	s3 =	sld [smem:$0x3FDB];
	s0 =	simm.s32 @p2 $0x1  }
0x17: {  	s4 =	simm.s32 $0x1BF5;
	[smem:$0x3FBA] =	sst s0  }
0x18: {  	s0 =	sld [smem:$0x3F9D];
	_ =	swait.ge [sflag:s4], $0x0  }
0x19: {  	s7 =	sld [smem:$0x3F9E]  }
0x1a: {  	s8 =	sadd.s32 $0xFFFFE003, lr  }
0x1b: {  	s9 =	sadd.s32 $0xFFFFFEF7, lr;
	s5 =	simm.s32 $0xFFFFFFFF;
	p2 =	slt.u32 s8, $0xFFFFF086  }
0x1c: {  	p1 =	slt.u32 s9, $0xF7A;
	s5 =	simm.s32 @!p2 $0x0  }
0x1d: {  	s5 =	simm.s32 @p1 $0x1;
	p0 =	seq.s32 s7, s2  }
0x1e: {  	s7 =	smul.u32 @!p0 $0xF7A, s2;
	p2 =	seq.s32 @!p0 s5, $0x0  }
0x1f: {  	s9 =	smul.u32 $0xF7A, s1;
	s8 =	simm.s32 @!p0 $0x1BF5;
	p2 =	por !p2, p0  }
0x20: {  	[sflag:s8] =	ssyncset.s32 @!p0 $0xFFFFF086;
	s6 =	sadd.s32 @!p0 s3, s7;
	s7 =	simm.s32 @!p0 $0x108  }
0x21: {  	s3 =	sadd.s32 s3, s9;
	s6 =	sadd.s32 @!p0 $0x88, s6;
	s7 =	simm.s32 @p2 $0x1082  }
0x22: {  	[simem:s7], [sflag:s8] =	dma.local @!p0 [hbm:s6], $0xF7A  }
0x23: {  	s9 =	sor.u32 $0xD0000000, s2;
	s6 =	simm.s32 $0x108;
	_ =	swait.ge @!p0 [sflag:s8], $0x0  }
0x24: {  	s3 =	sadd.s32 $0x88, s3;
	s6 =	simm.s32 @!p1 $0x1082;
	[sflag:s4] =	ssyncset.s32 $0xFFFFF086  }
0x25: {  	[simem:s6], [sflag:s4] =	dma.local [hbm:s3], $0xF7A  }
0x26: {  	[smem:$0x3F9E] =	sst s1;
	(tag) =	ssettag s2;
	_ =	strace s9  }
0x27: {  	s1 =	sld [smem:$0x3FAE]  }
0x28: {  	s2 =	sld [smem:$0x3FAF]  }
0x29: {  	s4 =	sld [smem:$0x3FB1]  }
0x2a: {  	p0 =	seq.s32 s5, $0x0;
	s5 =	sld [smem:$0x3FB2]  }
0x2b: {  	s6 =	sld [smem:$0x3FB3]  }
0x2c: {  	s7 =	sld [smem:$0x3FB4]  }
0x2d: {  	s3 =	simm.s32 $0x108;
	s8 =	sld [smem:$0x3FB5]  }
0x2e: {  	s3 =	simm.s32 @!p0 $0x1082;
	s9 =	sld [smem:$0x3FB6]  }
0x2f: {  	lr =	sadd.s32 s0, s3;
	s0 =	sld [smem:$0x3FAD]  }
0x30: {  	s3 =	sld [smem:$0x3FB0]  }
0x31: {  	[smem:$0x3FB9] =	sst s10  }
0x32: {  	s10 =	sld [smem:$0x3FB7];
	_ =	sdelay $0x3  }
0x33: {  	p0 =	seq.s32 s10, $0x1;
	s10 =	sld [smem:$0x3FB9];
	_ =	sdelay $0x3  }
0x34: {  	[smem:$0x3FB9] =	sst s10  }
0x35: {  	s10 =	sld [smem:$0x3FB8];
	_ =	sdelay $0x3  }
0x36: {  	p1 =	seq.s32 s10, $0x1;
	s10 =	sld [smem:$0x3FB9];
	_ =	sdelay $0x3  }
0x37: {  	[smem:$0x3FB9] =	sst s10  }
0x38: {  	s10 =	sld [smem:$0x3FBA]  }
0x39: {  	_ = 	snop;
	(pc) =	sbr.ind lr, $3  }
0x3a: {  	_ = 	snop  }
0x3b: {  	_ = 	snop  }
0x3c: {  	p2 =	seq.s32 s10, $0x1;
	s10 =	sld [smem:$0x3FB9]  }
0x3d: {  	_ =	shalt  }
0x3e: {  	_ =	shalt  }
0x3f: {  	_ =	shalt  }
0x40: {  	_ =	shalt  }
0x41: {  	_ =	shalt  }
0x42: {  	_ =	shalt  }
0x43: {  	_ =	shalt  }
0x44: {  	_ =	shalt  }
0x45: {  	_ =	shalt  }
0x46: {  	_ =	shalt  }
0x47: {  	_ =	shalt  }
0x48: {  	_ =	shalt  }
0x49: {  	_ =	shalt  }
0x4a: {  	_ =	shalt  }
0x4b: {  	_ =	shalt  }
0x4c: {  	_ =	shalt  }
0x4d: {  	_ =	shalt  }
0x4e: {  	_ =	shalt  }
0x4f: {  	_ =	shalt  }
0x50: {  	_ =	shalt  }
0x51: {  	_ =	shalt  }
0x52: {  	_ =	shalt  }
0x53: {  	_ =	shalt  }
0x54: {  	_ =	shalt  }
0x55: {  	_ =	shalt  }
0x56: {  	_ =	shalt  }
0x57: {  	_ =	shalt  }
0x58: {  	_ =	shalt  }
0x59: {  	_ =	shalt  }
0x5a: {  	_ =	shalt  }
0x5b: {  	_ =	shalt  }
0x5c: {  	_ =	shalt  }
0x5d: {  	_ =	shalt  }
0x5e: {  	_ =	shalt  }
0x5f: {  	_ =	shalt  }
0x60: {  	_ =	shalt  }
0x61: {  	_ =	shalt  }
0x62: {  	_ =	shalt  }
0x63: {  	_ =	shalt  }
0x64: {  	_ =	shalt  }
0x65: {  	_ =	shalt  }
0x66: {  	_ =	shalt  }
0x67: {  	_ =	shalt  }
0x68: {  	_ =	shalt  }
0x69: {  	_ =	shalt  }
0x6a: {  	_ =	shalt  }
0x6b: {  	_ =	shalt  }
0x6c: {  	_ =	shalt  }
0x6d: {  	_ =	shalt  }
0x6e: {  	_ =	shalt  }
0x6f: {  	_ =	shalt  }
0x70: {  	_ =	shalt  }
0x71: {  	_ =	shalt  }
0x72: {  	_ =	shalt  }
0x73: {  	_ =	shalt  }
0x74: {  	_ =	shalt  }
0x75: {  	_ =	shalt  }
0x76: {  	_ =	shalt  }
0x77: {  	_ =	shalt  }
0x78: {  	_ =	shalt  }
0x79: {  	_ =	shalt  }
0x7a: {  	_ =	shalt  }
0x7b: {  	_ =	shalt  }
0x7c: {  	_ =	shalt  }
0x7d: {  	_ =	shalt  }
0x7e: {  	_ =	shalt  }
0x7f: {  	_ =	shalt  }
0x80: {  	_ =	shalt  }
0x81: {  	_ =	shalt  }
0x82: {  	_ =	shalt  }
0x83: {  	_ =	shalt  }
0x84: {  	_ =	shalt  }
0x85: {  	_ =	shalt  }
0x86: {  	_ =	shalt  }
0x87: {  	_ =	shalt  }
.Lfunc_end0:
.L_simem_size_0:
called_computation_lowered:
.L_overlay_start_0:
0x88: {  	s2 =	sld [smem:$0x3FD9]  }
0x89: {  	s3 =	sld [smem:$0x3FFE];
	_ =	sdelay $0x1  }
0x8a: {  	s1 =	srdreg.scid  }
0x8b: {  	s0 =	sand.u32 $0x1, s1  }
0x8c: {  	s18 =	sshll.u32 s0, $0xA;
	s2 =	sadd.s32 s3, s2  }
0x8d: {  	s2 =	sadd.s32 s2, s18  }
0x8e: {  	[smem:$0x3FC5] =	sst s2  }
0x8f: {  	_ = 	snop  }
0x90: {  	s2 =	sld [smem:$0x3FC9]  }
0x91: {  	s19 =	sld [smem:$0x3FC8]  }
0x92: {  	s4 =	sld [smem:$0x3FC7]  }
0x93: {  	s5 =	sld [smem:$0x3FD0];
	(tm) =	ssettm $0x1  }
0x94: {  	s6 =	sld [smem:$0x3FFB];
	_ =	sdelay $0x3  }
0x95: {  	_ =	strace s6  }
0x96: {  	s6 =	sld [smem:$0x3FFC];
	_ =	sdelay $0x3  }
0x97: {  	_ =	strace s6  }
0x98: {  	s6 =	sld [smem:$0x3FFD];
	_ =	sdelay $0x3  }
0x99: {  	_ =	strace s6  }
0x9a: {  	_ =	strace $0x8FFFFFFF  }
0x9b: {  	s20 =	sld [smem:$0x3FDB];
	_ =	sdelay $0x1  }
0x9c: {  	s7 =	simm.s32 $_scs_section_size  }
0x9d: {  	s8 =	simm.s32 $_size__tile_overlayer_lowered;
	s9 =	simm.s32 $_tile_overlayer_lowered  }
0x9e: {  	s23 =	simm.s32 $0x1BFF;
	s22 =	sshll.u32 s9, $0x1;
	s6 =	sadd.s32 s7, s20  }
0x9f: {  	s10 =	simm.s32 $0x0;
	s21 =	sshll.u32 s8, $0x1;
	s8 =	sadd.s32 s22, s6  }
0xa0: {  	[timem:s10], [sflag:s23] =	dma.local [hbm:s8], s21  }
0xa1: {  	_ =	swait.ge [sflag:s23], s21  }
0xa2: {  	s7 =	ssub.s32 $0x0, s21;
	[sflag:s23] =	ssyncset.done $0x0  }
0xa3: {  	[sflag:s23] =	ssyncadd.s32 s7;
	_ =	sdelay $0x1  }
0xa4: {  	s24 =	simm.s32 $0x1B8B  }
0xa5: {  	_ =	swait.ge [sflag:s24], $0x1  }
0xa6: {  	[sflag:s24] =	ssyncset.done $0x0  }
0xa7: {  	s25 =	simm.s32 $0x1B8E;
	[sflag:s24] =	ssyncadd.s32 $0xFFFFFFFF  }
0xa8: {  	s26 =	simm.s32 $execute0_lowered;
	[smem:$0x3FD2] =	sst s25  }
0xa9: {  	s7 =	sshll.u32 s26, $0x1;
	_ =	strace $0x80000046;
	[dreg:$0x1] =	wrdreg $0xFFFFFFFF  }
0xaa: {  	s28 =	simm.s32 $_size_execute0_lowered;
	s6 =	sadd.s32 s6, s7;
	[dreg:$0x0] =	wrdreg $0x0  }
0xab: {  	s7 =	sshll.u32 s28, $0x1;
	[dreg:$0x2] =	wrdreg s6  }
0xac: {  	[dreg:$0x3] =	wrdreg s7  }
0xad: {  	[dreg:$0x4] =	wrdreg $0xC0  }
0xae: {  	_ =	task [dreg:s10], $0x5FFFF  }
0xaf: {  	[dreg:$0x1] =	wrdreg $0xFFFFFFFF  }
0xb0: {  	[dreg:$0x0] =	wrdreg $0x60  }
0xb1: {  	[dreg:$0x2] =	wrdreg s2  }
0xb2: {  	[dreg:$0x3] =	wrdreg s19  }
0xb3: {  	[dreg:$0x4] =	wrdreg s4  }
0xb4: {  	[dreg:$0x5] =	wrdreg s5  }
0xb5: {  	[dreg:$0x6] =	wrdreg $0x9  }
0xb6: {  	_ =	task.clear_ibuf [dreg:s10], $0x7FFFF;
	_ =	strace $0x90000046  }
0xb7: {  	s29 =	simm.s32 $0x9;
	_ =	strace $0x80000048  }
0xb8: {  	_ =	swait.ge [sflag:s29], $0x1  }
0xb9: {  	[sflag:s29] =	ssyncadd.s32 $0xFFFFFFFF  }
0xba: {  	_ =	strace $0x90000048  }
0xbb: {  	_ =	sfence  }
0xbc: {  	s30 =	sld [smem:$0x0];
	_ =	sdelay $0x2  }
0xbd: {  	s31 =	sshll.u32 s1, $0xD;
	s1 =	sshrl.u32 s1, $0x2  }
0xbe: {  	s3 =	sand.u32 $0x4000, s31;
	s1 =	sadd.s32 s1, s30  }
0xbf: {  	s0 =	sor.u32 s3, s0;
	s1 =	sshll.u32 s1, $0x11  }
0xc0: {  	s0 =	sor.u32 s1, s0  }
0xc1: {  	s0 =	sadd.s32 $0x8F2B, s0  }
0xc2: {  	[sflag:s0] =	ssyncadd.remote.s32 $0x1  }
0xc3: {  	_ =	sfence.sel $0xFFFF  }
0xc4: {  	[dreg:$0x0] =	wrdreg $0xFFFFFFFF;
	(pc) =	sbr.abs _section_cstart, $3  }
0xc5: {  	[dreg:$0x1] =	wrdreg $0xFFFFFFFF  }
0xc6: {  	_ =	task.clear_ibuf [dreg:s10], $0x2FFFF;
	_ =	strace $0x9FFFFFFF  }
0xc7: {  	(tm) =	ssettm $0x7FFFFFFF  }
tec
execute0_lowered:
.L_overlay_start_1:
0x0: {  	(tag) =	ssettag $0x1  }
0x1: {  	s0 =	rddreg [dreg:$0x0]  }
0x2: {  	s1 =	rddreg [dreg:$0x1]  }
0x3: {  	s2 =	srdreg.scid;
	s8 =	rddreg [dreg:$0x2]  }
0x4: {  	s3 =	stileid.u32;
	s9 =	rddreg [dreg:$0x3]  }
0x5: {  	s14 =	simm.s32 $0x80;
	s15 =	simm.s32 $0x100;
	s16 =	simm.s32 $0x180  }
0x6: {  	s18 =	simm.s32 $0x5;
	s19 =	simm.s32 $0x40;
	s20 =	simm.s32 $0x2200  }
0x7: {  	s21 =	simm.s32 $0x4200;
	s22 =	simm.s32 $0x6200;
	s23 =	simm.s32 $0x8200  }
0x8: {  	s28 =	simm.s32 $0x3;
	s29 =	simm.s32 $0x4;
	s2 =	sand.u32 $0x1, s2  }
0x9: {  	s30 =	simm.s32 $0x7;
	s3 =	sshll.u32 s3, $0x7;
	s4 =	sshll.u32 s2, $0x6  }
0xa: {  	s31 =	simm.s32 $0x0;
	s2 =	ssub.s32 $0x2, s2;
	s7 =	sor.u32 s4, s3  }
0xb: {  	s3 =	simm.s32 $0x0;
	s10 =	sshrl.u32 s2, $0x1;
	s5 =	sshll.u32 s7, $0x2  }
0xc: {  	[smem:$0x7FF] =	sst s3;
	s2 =	ssub.s32 s2, s10;
	s26 =	sshll.u32 s7, $0x4  }
0xd: {  	s6 =	sand.u32 $0x1E00, s5;
	_ =	strace $0x80000047;
	s5 =	sor.u32 s4, s5  }
0xe: {  	s8 =	sadd.s32 s8, s26;
	s9 =	sadd.s32 s9, s26;
	s13 =	smax.u32 s2, $0x1  }
0xf: {  	s26 =	simm.s32 $0x2;
	s6 =	sor.u32 s4, s6;
	s11 =	sshrl.u32 s5, $0x3  }
0x10: {  	s10 =	sadd.s32 $0x8000, s9;
	s12 =	sadd.s32 $0x18000, s9;
	s6 =	sshrl.u32 s6, $0x3  }
0x11: {  	s24 =	sor.u32 $0x20, s11;
	s25 =	sor.u32 $0x30, s11;
	s11 =	sadd.s32 $0x10000, s9  }
0x12: {  	s4 =	sadd.s32 s0, s6;
	s6 =	sadd.s32 s0, s24;
	s7 =	sadd.s32 s0, s25  }
0x13: {  	s24 =	simm.s32 $0x6;
	s25 =	simm.s32 $0x1;
	s5 =	sadd.s32 $0x10, s4  }
.LBB2_1:
0x14: {  	[tilespmem:s3], [sflag:$0x5] =	stream.linear.gather [hbm4b:s4+s3], $0x40, $0x38;
	[tilespmem:$0xA200] =	vst v63  }
0x15: {  	_ = 	snop  }
0x16: {  	[tilespmem:s14], [sflag:$0x5] =	stream.linear.gather [hbm4b:s5+s3], $0x40, $0x38;
	[tilespmem:$0xA200] =	vst v63  }
0x17: {  	_ = 	snop  }
0x18: {  	[tilespmem:s15], [sflag:$0x5] =	stream.linear.gather [hbm4b:s6+s3], $0x40, $0x38;
	[tilespmem:$0xA200] =	vst v63  }
0x19: {  	_ = 	snop  }
0x1a: {  	[tilespmem:s16], [sflag:$0x5] =	stream.linear.gather [hbm4b:s7+s3], $0x40, $0x38;
	[tilespmem:$0xA200] =	vst v63  }
0x1b: {  	s0 =	simm.s32 $0x200  }
0x1c: {  	[tilespmem:s0], [sflag:$0x6] =	stream.linear.gather [hbm4b:s8+s3], $0x2000, $0x38;
	[tilespmem:$0xA200] =	vst v63  }
0x1d: {  	_ =	swait.ge [sflag:s18], $0x40  }
0x1e: {  	[sflag:s18] =	ssyncset.done $0x0  }
0x1f: {  	[sflag:s18] =	ssyncadd.s32 $0xFFFFFFC0  }
0x20: {  	[tilespmem:s20], [sflag:$0x1] =	stream.indirect.gather [hbm4b:s1+s19], $0x80, s3, s19, $0xb8;
	[tilespmem:$0xA200] =	vst v63  }
0x21: {  	_ =	swait.ge [sflag:s18], $0x40  }
0x22: {  	[sflag:s18] =	ssyncset.done $0x0  }
0x23: {  	[sflag:s18] =	ssyncadd.s32 $0xFFFFFFC0  }
0x24: {  	[tilespmem:s21], [sflag:$0x2] =	stream.indirect.gather [hbm4b:s1+s19], $0x80, s14, s19, $0xb8;
	[tilespmem:$0xA200] =	vst v63  }
0x25: {  	_ =	swait.ge [sflag:s18], $0x40  }
0x26: {  	[sflag:s18] =	ssyncset.done $0x0  }
0x27: {  	[sflag:s18] =	ssyncadd.s32 $0xFFFFFFC0  }
0x28: {  	[tilespmem:s22], [sflag:$0x3] =	stream.indirect.gather [hbm4b:s1+s19], $0x80, s15, s19, $0xb8;
	[tilespmem:$0xA200] =	vst v63  }
0x29: {  	_ =	swait.ge [sflag:s18], $0x40  }
0x2a: {  	[sflag:s18] =	ssyncset.done $0x0  }
0x2b: {  	[sflag:s18] =	ssyncadd.s32 $0xFFFFFFC0  }
0x2c: {  	[tilespmem:s23], [sflag:$0x4] =	stream.indirect.gather [hbm4b:s1+s19], $0x80, s16, s19, $0xb8;
	[tilespmem:$0xA200] =	vst v63  }
0x2d: {  	_ =	swait.ge [sflag:s24], $0x2000  }
0x2e: {  	[sflag:s24] =	ssyncset.done $0x0  }
0x2f: {  	[sflag:s24] =	ssyncadd.s32 $0xFFFFE000  }
0x30: {  	_ =	swait.ge [sflag:s25], $0x2000  }
0x31: {  	[sflag:s25] =	ssyncset.done $0x0  }
0x32: {  	s2 =	simm.s32 $0x0;
	[sflag:s25] =	ssyncadd.s32 $0xFFFFE000  }
0x33: {  	v0 =	vld [tilespmem:s2+$0x2F0]  }
0x34: {  	v1 =	vld [tilespmem:s2+$0x200]  }
0x35: {  	v2 =	vld [tilespmem:s2+$0x210]  }
0x36: {  	v3 =	vld [tilespmem:s2+$0x220]  }
0x37: {  	v4 =	vld [tilespmem:s2+$0x230]  }
0x38: {  	v5 =	vld [tilespmem:s2+$0x240]  }
0x39: {  	v6 =	vld [tilespmem:s2+$0x250]  }
0x3a: {  	v7 =	vld [tilespmem:s2+$0x260]  }
0x3b: {  	v8 =	vld [tilespmem:s2+$0x270]  }
0x3c: {  	v9 =	vld [tilespmem:s2+$0x280]  }
0x3d: {  	v10 =	vld [tilespmem:s2+$0x290]  }
0x3e: {  	v11 =	vld [tilespmem:s2+$0x2A0]  }
0x3f: {  	v12 =	vld [tilespmem:s2+$0x2B0]  }
0x40: {  	v13 =	vld [tilespmem:s2+$0x2C0]  }
0x41: {  	v14 =	vld [tilespmem:s2+$0x2D0]  }
0x42: {  	[tilespmem:s2+$0x22F0] =	vst.add.f32.msk $0xffff, v0  }
0x43: {  	v0 =	vld [tilespmem:s2+$0x2E0]  }
0x44: {  	[tilespmem:s2+$0x2200] =	vst.add.f32.msk $0xffff, v1  }
0x45: {  	[tilespmem:s2+$0x2210] =	vst.add.f32.msk $0xffff, v2  }
0x46: {  	[tilespmem:s2+$0x2220] =	vst.add.f32.msk $0xffff, v3  }
0x47: {  	[tilespmem:s2+$0x2230] =	vst.add.f32.msk $0xffff, v4  }
0x48: {  	[tilespmem:s2+$0x2240] =	vst.add.f32.msk $0xffff, v5  }
0x49: {  	[tilespmem:s2+$0x2250] =	vst.add.f32.msk $0xffff, v6  }
0x4a: {  	[tilespmem:s2+$0x2260] =	vst.add.f32.msk $0xffff, v7  }
0x4b: {  	[tilespmem:s2+$0x2270] =	vst.add.f32.msk $0xffff, v8  }
0x4c: {  	[tilespmem:s2+$0x2280] =	vst.add.f32.msk $0xffff, v9  }
0x4d: {  	[tilespmem:s2+$0x2290] =	vst.add.f32.msk $0xffff, v10  }
0x4e: {  	[tilespmem:s2+$0x22A0] =	vst.add.f32.msk $0xffff, v11  }
0x4f: {  	[tilespmem:s2+$0x22B0] =	vst.add.f32.msk $0xffff, v12  }
0x50: {  	[tilespmem:s2+$0x22C0] =	vst.add.f32.msk $0xffff, v13  }
0x51: {  	s17 =	simm.s32 $0x400;
	s0 =	simm.s32 $0x0;
	[tilespmem:s2+$0x22D0] =	vst.add.f32.msk $0xffff, v14  }
.LBB2_2:
0x52: {  	s0 =	sadd.s32 $0x2, s0;
	[tilespmem:s2+$0x22E0] =	vst.add.f32.msk $0xffff, v0;
	s2 =	sshra.s32 s17, $0x2  }
0x53: {  	v0 =	vld [tilespmem:s2+$0x2F0];
	p0 =	slt.u32 s0, $0x3E  }
0x54: {  	v1 =	vld [tilespmem:s2+$0x200]  }
0x55: {  	v2 =	vld [tilespmem:s2+$0x210]  }
0x56: {  	v3 =	vld [tilespmem:s2+$0x220]  }
0x57: {  	v4 =	vld [tilespmem:s2+$0x230]  }
0x58: {  	[tilespmem:s2+$0x22F0] =	vst.add.f32.msk $0xffff, v0  }
0x59: {  	v5 =	vld [tilespmem:s2+$0x240]  }
0x5a: {  	v6 =	vld [tilespmem:s2+$0x250]  }
0x5b: {  	v7 =	vld [tilespmem:s2+$0x260]  }
0x5c: {  	v8 =	vld [tilespmem:s2+$0x270]  }
0x5d: {  	v9 =	vld [tilespmem:s2+$0x280]  }
0x5e: {  	v10 =	vld [tilespmem:s2+$0x290]  }
0x5f: {  	v11 =	vld [tilespmem:s2+$0x2A0]  }
0x60: {  	v12 =	vld [tilespmem:s2+$0x2B0]  }
0x61: {  	v13 =	vld [tilespmem:s2+$0x2C0]  }
0x62: {  	v14 =	vld [tilespmem:s2+$0x2D0]  }
0x63: {  	v0 =	vld [tilespmem:s2+$0x2E0]  }
0x64: {  	[tilespmem:s2+$0x2200] =	vst.add.f32.msk $0xffff, v1  }
0x65: {  	[tilespmem:s2+$0x2210] =	vst.add.f32.msk $0xffff, v2  }
0x66: {  	[tilespmem:s2+$0x2220] =	vst.add.f32.msk $0xffff, v3  }
0x67: {  	[tilespmem:s2+$0x2230] =	vst.add.f32.msk $0xffff, v4  }
0x68: {  	[tilespmem:s2+$0x2240] =	vst.add.f32.msk $0xffff, v5  }
0x69: {  	[tilespmem:s2+$0x2250] =	vst.add.f32.msk $0xffff, v6  }
0x6a: {  	[tilespmem:s2+$0x2260] =	vst.add.f32.msk $0xffff, v7  }
0x6b: {  	[tilespmem:s2+$0x2270] =	vst.add.f32.msk $0xffff, v8  }
0x6c: {  	[tilespmem:s2+$0x2280] =	vst.add.f32.msk $0xffff, v9  }
.Ltmp0:
0x6d: {  	[tilespmem:s2+$0x2290] =	vst.add.f32.msk $0xffff, v10;
	(pc) =	sbr.rel @p0 .LBB2_2-.Ltmp0, $4  }
0x6e: {  	[tilespmem:s2+$0x22A0] =	vst.add.f32.msk $0xffff, v11  }
0x6f: {  	[tilespmem:s2+$0x22B0] =	vst.add.f32.msk $0xffff, v12  }
0x70: {  	[tilespmem:s2+$0x22C0] =	vst.add.f32.msk $0xffff, v13  }
0x71: {  	s17 =	sadd.s32 $0x400, s17;
	[tilespmem:s2+$0x22D0] =	vst.add.f32.msk $0xffff, v14  }
0x72: {  	[tilespmem:s2+$0x22E0] =	vst.add.f32.msk $0xffff, v0;
	s0 =	simm.s32 $0x0  }
0x73: {  	[hbm4b:s9+s0] =	stream.linear.scatter [tilespmem:s20], [sflag:$0x7], $0x2000, $0x38;
	[tilespmem:$0xA200] =	vst v63  }
0x74: {  	_ =	swait.ge [sflag:s26], $0x2000  }
0x75: {  	[sflag:s26] =	ssyncset.done $0x0  }
0x76: {  	s2 =	simm.s32 $0x0;
	[sflag:s26] =	ssyncadd.s32 $0xFFFFE000  }
0x77: {  	v0 =	vld [tilespmem:s2+$0x2F0]  }
0x78: {  	v1 =	vld [tilespmem:s2+$0x200]  }
0x79: {  	v2 =	vld [tilespmem:s2+$0x210]  }
0x7a: {  	v3 =	vld [tilespmem:s2+$0x220]  }
0x7b: {  	v4 =	vld [tilespmem:s2+$0x230]  }
0x7c: {  	v5 =	vld [tilespmem:s2+$0x240]  }
0x7d: {  	v6 =	vld [tilespmem:s2+$0x250]  }
0x7e: {  	v7 =	vld [tilespmem:s2+$0x260]  }
0x7f: {  	v8 =	vld [tilespmem:s2+$0x270]  }
0x80: {  	v9 =	vld [tilespmem:s2+$0x280]  }
0x81: {  	v10 =	vld [tilespmem:s2+$0x290]  }
0x82: {  	v11 =	vld [tilespmem:s2+$0x2A0]  }
0x83: {  	v12 =	vld [tilespmem:s2+$0x2B0]  }
0x84: {  	v13 =	vld [tilespmem:s2+$0x2C0]  }
0x85: {  	v14 =	vld [tilespmem:s2+$0x2D0]  }
0x86: {  	[tilespmem:s2+$0x42F0] =	vst.add.f32.msk $0xffff, v0  }
0x87: {  	v0 =	vld [tilespmem:s2+$0x2E0]  }
0x88: {  	[tilespmem:s2+$0x4200] =	vst.add.f32.msk $0xffff, v1  }
0x89: {  	[tilespmem:s2+$0x4210] =	vst.add.f32.msk $0xffff, v2  }
0x8a: {  	[tilespmem:s2+$0x4220] =	vst.add.f32.msk $0xffff, v3  }
0x8b: {  	[tilespmem:s2+$0x4230] =	vst.add.f32.msk $0xffff, v4  }
0x8c: {  	[tilespmem:s2+$0x4240] =	vst.add.f32.msk $0xffff, v5  }
0x8d: {  	[tilespmem:s2+$0x4250] =	vst.add.f32.msk $0xffff, v6  }
0x8e: {  	[tilespmem:s2+$0x4260] =	vst.add.f32.msk $0xffff, v7  }
0x8f: {  	[tilespmem:s2+$0x4270] =	vst.add.f32.msk $0xffff, v8  }
0x90: {  	[tilespmem:s2+$0x4280] =	vst.add.f32.msk $0xffff, v9  }
0x91: {  	[tilespmem:s2+$0x4290] =	vst.add.f32.msk $0xffff, v10  }
0x92: {  	[tilespmem:s2+$0x42A0] =	vst.add.f32.msk $0xffff, v11  }
0x93: {  	[tilespmem:s2+$0x42B0] =	vst.add.f32.msk $0xffff, v12  }
0x94: {  	[tilespmem:s2+$0x42C0] =	vst.add.f32.msk $0xffff, v13  }
0x95: {  	s17 =	simm.s32 $0x400;
	s0 =	simm.s32 $0x0;
	[tilespmem:s2+$0x42D0] =	vst.add.f32.msk $0xffff, v14  }
.LBB2_4:
0x96: {  	s0 =	sadd.s32 $0x2, s0;
	[tilespmem:s2+$0x42E0] =	vst.add.f32.msk $0xffff, v0;
	s2 =	sshra.s32 s17, $0x2  }
0x97: {  	v0 =	vld [tilespmem:s2+$0x2F0];
	p0 =	slt.u32 s0, $0x3E  }
0x98: {  	v1 =	vld [tilespmem:s2+$0x200]  }
0x99: {  	v2 =	vld [tilespmem:s2+$0x210]  }
0x9a: {  	v3 =	vld [tilespmem:s2+$0x220]  }
0x9b: {  	v4 =	vld [tilespmem:s2+$0x230]  }
0x9c: {  	[tilespmem:s2+$0x42F0] =	vst.add.f32.msk $0xffff, v0  }
0x9d: {  	v5 =	vld [tilespmem:s2+$0x240]  }
0x9e: {  	v6 =	vld [tilespmem:s2+$0x250]  }
0x9f: {  	v7 =	vld [tilespmem:s2+$0x260]  }
0xa0: {  	v8 =	vld [tilespmem:s2+$0x270]  }
0xa1: {  	v9 =	vld [tilespmem:s2+$0x280]  }
0xa2: {  	v10 =	vld [tilespmem:s2+$0x290]  }
0xa3: {  	v11 =	vld [tilespmem:s2+$0x2A0]  }
0xa4: {  	v12 =	vld [tilespmem:s2+$0x2B0]  }
0xa5: {  	v13 =	vld [tilespmem:s2+$0x2C0]  }
0xa6: {  	v14 =	vld [tilespmem:s2+$0x2D0]  }
0xa7: {  	v0 =	vld [tilespmem:s2+$0x2E0]  }
0xa8: {  	[tilespmem:s2+$0x4200] =	vst.add.f32.msk $0xffff, v1  }
0xa9: {  	[tilespmem:s2+$0x4210] =	vst.add.f32.msk $0xffff, v2  }
0xaa: {  	[tilespmem:s2+$0x4220] =	vst.add.f32.msk $0xffff, v3  }
0xab: {  	[tilespmem:s2+$0x4230] =	vst.add.f32.msk $0xffff, v4  }
0xac: {  	[tilespmem:s2+$0x4240] =	vst.add.f32.msk $0xffff, v5  }
0xad: {  	[tilespmem:s2+$0x4250] =	vst.add.f32.msk $0xffff, v6  }
0xae: {  	[tilespmem:s2+$0x4260] =	vst.add.f32.msk $0xffff, v7  }
0xaf: {  	[tilespmem:s2+$0x4270] =	vst.add.f32.msk $0xffff, v8  }
0xb0: {  	[tilespmem:s2+$0x4280] =	vst.add.f32.msk $0xffff, v9  }
.Ltmp1:
0xb1: {  	[tilespmem:s2+$0x4290] =	vst.add.f32.msk $0xffff, v10;
	(pc) =	sbr.rel @p0 .LBB2_4-.Ltmp1, $4  }
0xb2: {  	[tilespmem:s2+$0x42A0] =	vst.add.f32.msk $0xffff, v11  }
0xb3: {  	[tilespmem:s2+$0x42B0] =	vst.add.f32.msk $0xffff, v12  }
0xb4: {  	[tilespmem:s2+$0x42C0] =	vst.add.f32.msk $0xffff, v13  }
0xb5: {  	s17 =	sadd.s32 $0x400, s17;
	[tilespmem:s2+$0x42D0] =	vst.add.f32.msk $0xffff, v14  }
0xb6: {  	[tilespmem:s2+$0x42E0] =	vst.add.f32.msk $0xffff, v0;
	s0 =	simm.s32 $0x0  }
0xb7: {  	[hbm4b:s10+s0] =	stream.linear.scatter [tilespmem:s21], [sflag:$0x7], $0x2000, $0x38;
	[tilespmem:$0xA200] =	vst v63  }
0xb8: {  	_ =	swait.ge [sflag:s28], $0x2000  }
0xb9: {  	[sflag:s28] =	ssyncset.done $0x0  }
0xba: {  	s2 =	simm.s32 $0x0;
	[sflag:s28] =	ssyncadd.s32 $0xFFFFE000  }
0xbb: {  	v0 =	vld [tilespmem:s2+$0x2F0]  }
0xbc: {  	v1 =	vld [tilespmem:s2+$0x200]  }
0xbd: {  	v2 =	vld [tilespmem:s2+$0x210]  }
0xbe: {  	v3 =	vld [tilespmem:s2+$0x220]  }
0xbf: {  	v4 =	vld [tilespmem:s2+$0x230]  }
0xc0: {  	v5 =	vld [tilespmem:s2+$0x240]  }
0xc1: {  	v6 =	vld [tilespmem:s2+$0x250]  }
0xc2: {  	v7 =	vld [tilespmem:s2+$0x260]  }
0xc3: {  	v8 =	vld [tilespmem:s2+$0x270]  }
0xc4: {  	v9 =	vld [tilespmem:s2+$0x280]  }
0xc5: {  	v10 =	vld [tilespmem:s2+$0x290]  }
0xc6: {  	v11 =	vld [tilespmem:s2+$0x2A0]  }
0xc7: {  	v12 =	vld [tilespmem:s2+$0x2B0]  }
0xc8: {  	v13 =	vld [tilespmem:s2+$0x2C0]  }
0xc9: {  	v14 =	vld [tilespmem:s2+$0x2D0]  }
0xca: {  	[tilespmem:s2+$0x62F0] =	vst.add.f32.msk $0xffff, v0  }
0xcb: {  	v0 =	vld [tilespmem:s2+$0x2E0]  }
0xcc: {  	[tilespmem:s2+$0x6200] =	vst.add.f32.msk $0xffff, v1  }
0xcd: {  	[tilespmem:s2+$0x6210] =	vst.add.f32.msk $0xffff, v2  }
0xce: {  	[tilespmem:s2+$0x6220] =	vst.add.f32.msk $0xffff, v3  }
0xcf: {  	[tilespmem:s2+$0x6230] =	vst.add.f32.msk $0xffff, v4  }
0xd0: {  	[tilespmem:s2+$0x6240] =	vst.add.f32.msk $0xffff, v5  }
0xd1: {  	[tilespmem:s2+$0x6250] =	vst.add.f32.msk $0xffff, v6  }
0xd2: {  	[tilespmem:s2+$0x6260] =	vst.add.f32.msk $0xffff, v7  }
0xd3: {  	[tilespmem:s2+$0x6270] =	vst.add.f32.msk $0xffff, v8  }
0xd4: {  	[tilespmem:s2+$0x6280] =	vst.add.f32.msk $0xffff, v9  }
0xd5: {  	[tilespmem:s2+$0x6290] =	vst.add.f32.msk $0xffff, v10  }
0xd6: {  	[tilespmem:s2+$0x62A0] =	vst.add.f32.msk $0xffff, v11  }
0xd7: {  	[tilespmem:s2+$0x62B0] =	vst.add.f32.msk $0xffff, v12  }
0xd8: {  	[tilespmem:s2+$0x62C0] =	vst.add.f32.msk $0xffff, v13  }
0xd9: {  	s17 =	simm.s32 $0x400;
	s0 =	simm.s32 $0x0;
	[tilespmem:s2+$0x62D0] =	vst.add.f32.msk $0xffff, v14  }
.LBB2_6:
0xda: {  	s0 =	sadd.s32 $0x2, s0;
	[tilespmem:s2+$0x62E0] =	vst.add.f32.msk $0xffff, v0;
	s2 =	sshra.s32 s17, $0x2  }
0xdb: {  	v0 =	vld [tilespmem:s2+$0x2F0];
	p0 =	slt.u32 s0, $0x3E  }
0xdc: {  	v1 =	vld [tilespmem:s2+$0x200]  }
0xdd: {  	v2 =	vld [tilespmem:s2+$0x210]  }
0xde: {  	v3 =	vld [tilespmem:s2+$0x220]  }
0xdf: {  	v4 =	vld [tilespmem:s2+$0x230]  }
0xe0: {  	[tilespmem:s2+$0x62F0] =	vst.add.f32.msk $0xffff, v0  }
0xe1: {  	v5 =	vld [tilespmem:s2+$0x240]  }
0xe2: {  	v6 =	vld [tilespmem:s2+$0x250]  }
0xe3: {  	v7 =	vld [tilespmem:s2+$0x260]  }
0xe4: {  	v8 =	vld [tilespmem:s2+$0x270]  }
0xe5: {  	v9 =	vld [tilespmem:s2+$0x280]  }
0xe6: {  	v10 =	vld [tilespmem:s2+$0x290]  }
0xe7: {  	v11 =	vld [tilespmem:s2+$0x2A0]  }
0xe8: {  	v12 =	vld [tilespmem:s2+$0x2B0]  }
0xe9: {  	v13 =	vld [tilespmem:s2+$0x2C0]  }
0xea: {  	v14 =	vld [tilespmem:s2+$0x2D0]  }
0xeb: {  	v0 =	vld [tilespmem:s2+$0x2E0]  }
0xec: {  	[tilespmem:s2+$0x6200] =	vst.add.f32.msk $0xffff, v1  }
0xed: {  	[tilespmem:s2+$0x6210] =	vst.add.f32.msk $0xffff, v2  }
0xee: {  	[tilespmem:s2+$0x6220] =	vst.add.f32.msk $0xffff, v3  }
0xef: {  	[tilespmem:s2+$0x6230] =	vst.add.f32.msk $0xffff, v4  }
0xf0: {  	[tilespmem:s2+$0x6240] =	vst.add.f32.msk $0xffff, v5  }
0xf1: {  	[tilespmem:s2+$0x6250] =	vst.add.f32.msk $0xffff, v6  }
0xf2: {  	[tilespmem:s2+$0x6260] =	vst.add.f32.msk $0xffff, v7  }
0xf3: {  	[tilespmem:s2+$0x6270] =	vst.add.f32.msk $0xffff, v8  }
0xf4: {  	[tilespmem:s2+$0x6280] =	vst.add.f32.msk $0xffff, v9  }
.Ltmp2:
0xf5: {  	[tilespmem:s2+$0x6290] =	vst.add.f32.msk $0xffff, v10;
	(pc) =	sbr.rel @p0 .LBB2_6-.Ltmp2, $4  }
0xf6: {  	[tilespmem:s2+$0x62A0] =	vst.add.f32.msk $0xffff, v11  }
0xf7: {  	[tilespmem:s2+$0x62B0] =	vst.add.f32.msk $0xffff, v12  }
0xf8: {  	[tilespmem:s2+$0x62C0] =	vst.add.f32.msk $0xffff, v13  }
0xf9: {  	s17 =	sadd.s32 $0x400, s17;
	[tilespmem:s2+$0x62D0] =	vst.add.f32.msk $0xffff, v14  }
0xfa: {  	[tilespmem:s2+$0x62E0] =	vst.add.f32.msk $0xffff, v0;
	s0 =	simm.s32 $0x0  }
0xfb: {  	[hbm4b:s11+s0] =	stream.linear.scatter [tilespmem:s22], [sflag:$0x7], $0x2000, $0x38;
	[tilespmem:$0xA200] =	vst v63  }
0xfc: {  	_ =	swait.ge [sflag:s29], $0x2000  }
0xfd: {  	[sflag:s29] =	ssyncset.done $0x0  }
0xfe: {  	s2 =	simm.s32 $0x0;
	[sflag:s29] =	ssyncadd.s32 $0xFFFFE000  }
0xff: {  	v0 =	vld [tilespmem:s2+$0x2F0]  }
0x100: {  	v1 =	vld [tilespmem:s2+$0x200]  }
0x101: {  	v2 =	vld [tilespmem:s2+$0x210]  }
0x102: {  	v3 =	vld [tilespmem:s2+$0x220]  }
0x103: {  	v4 =	vld [tilespmem:s2+$0x230]  }
0x104: {  	v5 =	vld [tilespmem:s2+$0x240]  }
0x105: {  	v6 =	vld [tilespmem:s2+$0x250]  }
0x106: {  	v7 =	vld [tilespmem:s2+$0x260]  }
0x107: {  	v8 =	vld [tilespmem:s2+$0x270]  }
0x108: {  	v9 =	vld [tilespmem:s2+$0x280]  }
0x109: {  	v10 =	vld [tilespmem:s2+$0x290]  }
0x10a: {  	v11 =	vld [tilespmem:s2+$0x2A0]  }
0x10b: {  	v12 =	vld [tilespmem:s2+$0x2B0]  }
0x10c: {  	v13 =	vld [tilespmem:s2+$0x2C0]  }
0x10d: {  	v14 =	vld [tilespmem:s2+$0x2D0]  }
0x10e: {  	[tilespmem:s2+$0x82F0] =	vst.add.f32.msk $0xffff, v0  }
0x10f: {  	v0 =	vld [tilespmem:s2+$0x2E0]  }
0x110: {  	[tilespmem:s2+$0x8200] =	vst.add.f32.msk $0xffff, v1  }
0x111: {  	[tilespmem:s2+$0x8210] =	vst.add.f32.msk $0xffff, v2  }
0x112: {  	[tilespmem:s2+$0x8220] =	vst.add.f32.msk $0xffff, v3  }
0x113: {  	[tilespmem:s2+$0x8230] =	vst.add.f32.msk $0xffff, v4  }
0x114: {  	[tilespmem:s2+$0x8240] =	vst.add.f32.msk $0xffff, v5  }
0x115: {  	[tilespmem:s2+$0x8250] =	vst.add.f32.msk $0xffff, v6  }
0x116: {  	[tilespmem:s2+$0x8260] =	vst.add.f32.msk $0xffff, v7  }
0x117: {  	[tilespmem:s2+$0x8270] =	vst.add.f32.msk $0xffff, v8  }
0x118: {  	[tilespmem:s2+$0x8280] =	vst.add.f32.msk $0xffff, v9  }
0x119: {  	[tilespmem:s2+$0x8290] =	vst.add.f32.msk $0xffff, v10  }
0x11a: {  	[tilespmem:s2+$0x82A0] =	vst.add.f32.msk $0xffff, v11  }
0x11b: {  	[tilespmem:s2+$0x82B0] =	vst.add.f32.msk $0xffff, v12  }
0x11c: {  	[tilespmem:s2+$0x82C0] =	vst.add.f32.msk $0xffff, v13  }
0x11d: {  	s17 =	simm.s32 $0x400;
	s0 =	simm.s32 $0x0;
	[tilespmem:s2+$0x82D0] =	vst.add.f32.msk $0xffff, v14  }
.LBB2_8:
0x11e: {  	s0 =	sadd.s32 $0x2, s0;
	[tilespmem:s2+$0x82E0] =	vst.add.f32.msk $0xffff, v0;
	s2 =	sshra.s32 s17, $0x2  }
0x11f: {  	v0 =	vld [tilespmem:s2+$0x2F0];
	p0 =	slt.u32 s0, $0x3E  }
0x120: {  	v1 =	vld [tilespmem:s2+$0x200]  }
0x121: {  	v2 =	vld [tilespmem:s2+$0x210]  }
0x122: {  	v3 =	vld [tilespmem:s2+$0x220]  }
0x123: {  	v4 =	vld [tilespmem:s2+$0x230]  }
0x124: {  	[tilespmem:s2+$0x82F0] =	vst.add.f32.msk $0xffff, v0  }
0x125: {  	v5 =	vld [tilespmem:s2+$0x240]  }
0x126: {  	v6 =	vld [tilespmem:s2+$0x250]  }
0x127: {  	v7 =	vld [tilespmem:s2+$0x260]  }
0x128: {  	v8 =	vld [tilespmem:s2+$0x270]  }
0x129: {  	v9 =	vld [tilespmem:s2+$0x280]  }
0x12a: {  	v10 =	vld [tilespmem:s2+$0x290]  }
0x12b: {  	v11 =	vld [tilespmem:s2+$0x2A0]  }
0x12c: {  	v12 =	vld [tilespmem:s2+$0x2B0]  }
0x12d: {  	v13 =	vld [tilespmem:s2+$0x2C0]  }
0x12e: {  	v14 =	vld [tilespmem:s2+$0x2D0]  }
0x12f: {  	v0 =	vld [tilespmem:s2+$0x2E0]  }
0x130: {  	[tilespmem:s2+$0x8200] =	vst.add.f32.msk $0xffff, v1  }
0x131: {  	[tilespmem:s2+$0x8210] =	vst.add.f32.msk $0xffff, v2  }
0x132: {  	[tilespmem:s2+$0x8220] =	vst.add.f32.msk $0xffff, v3  }
0x133: {  	[tilespmem:s2+$0x8230] =	vst.add.f32.msk $0xffff, v4  }
0x134: {  	[tilespmem:s2+$0x8240] =	vst.add.f32.msk $0xffff, v5  }
0x135: {  	[tilespmem:s2+$0x8250] =	vst.add.f32.msk $0xffff, v6  }
0x136: {  	[tilespmem:s2+$0x8260] =	vst.add.f32.msk $0xffff, v7  }
0x137: {  	[tilespmem:s2+$0x8270] =	vst.add.f32.msk $0xffff, v8  }
0x138: {  	[tilespmem:s2+$0x8280] =	vst.add.f32.msk $0xffff, v9  }
.Ltmp3:
0x139: {  	[tilespmem:s2+$0x8290] =	vst.add.f32.msk $0xffff, v10;
	(pc) =	sbr.rel @p0 .LBB2_8-.Ltmp3, $4  }
0x13a: {  	[tilespmem:s2+$0x82A0] =	vst.add.f32.msk $0xffff, v11  }
0x13b: {  	[tilespmem:s2+$0x82B0] =	vst.add.f32.msk $0xffff, v12  }
0x13c: {  	[tilespmem:s2+$0x82C0] =	vst.add.f32.msk $0xffff, v13  }
0x13d: {  	s17 =	sadd.s32 $0x400, s17;
	[tilespmem:s2+$0x82D0] =	vst.add.f32.msk $0xffff, v14  }
0x13e: {  	[tilespmem:s2+$0x82E0] =	vst.add.f32.msk $0xffff, v0  }
0x13f: {  	[hbm4b:s12+s3] =	stream.linear.scatter [tilespmem:s23], [sflag:$0x7], $0x2000, $0x38;
	[tilespmem:$0xA200] =	vst v63  }
0x140: {  	_ =	swait.ge [sflag:s30], $0x2000  }
0x141: {  	[sflag:s30] =	ssyncset.done $0x0  }
0x142: {  	[sflag:s30] =	ssyncadd.s32 $0xFFFFE000  }
0x143: {  	_ =	swait.ge [sflag:s30], $0x2000  }
0x144: {  	[sflag:s30] =	ssyncset.done $0x0  }
0x145: {  	s31 =	sadd.s32 $0x1, s31;
	[sflag:s30] =	ssyncadd.s32 $0xFFFFE000  }
0x146: {  	p0 =	sne.s32 s31, s13;
	_ =	swait.ge [sflag:s30], $0x2000  }
.Ltmp4:
0x147: {  	[sflag:s30] =	ssyncset.done $0x0;
	(pc) =	sbr.rel @p0 .LBB2_1-.Ltmp4, $4  }
0x148: {  	[sflag:s30] =	ssyncadd.s32 $0xFFFFE000  }
0x149: {  	_ =	swait.ge [sflag:s30], $0x2000  }
0x14a: {  	[sflag:s30] =	ssyncset.done $0x0  }
0x14b: {  	[sflag:s30] =	ssyncadd.s32 $0xFFFFE000  }
0x14c: {  	_ =	sfence.sel $0x180000  }
0x14d: {  	[bflag:$0x0] =	sbarrier.arrive $0xFFFF  }
0x14e: {  	_ =	strace $0x90000047  }
0x14f: {  	s0 =	stileid.u32;
	[bflag:$0x2] =	sbarrier.arrive $0xFFFF  }
0x150: {  	p0 =	sne.s32 s0, $0x0;
	s0 =	rddreg [dreg:$0x4]  }
0x151: {  	s0 =	sadd.s32 @!p0 $0x100000, s0  }
0x152: {  	[sflag:s0] =	ssyncadd.tile.s32 @!p0 $0x1;
	_ =	shalt  }
.Lfunc_end2:
_tile_overlayer_lowered:
.L_overlay_start_2:
0x153: {  	(tag) =	ssettag $0x2  }
0x154: {  	s0 =	rddreg [dreg:$0x0];
	s2 =	stileid.u32  }
0x155: {  	s1 =	rddreg [dreg:$0x1];
	p0 =	sne.s32 s2, $0x0  }
0x156: {  	s3 =	rddreg [dreg:$0x2];
	[bflag:$0x3] =	sbarrier.arrive $0xFFFF;
	s2 =	simm.s32 @!p0 $0x1C08  }
0x157: {  	[timem:s3], [sflag:s2] =	dma.local @!p0 [hbm:s0], s1  }
0x158: {  	s0 =	simm.s32 @!p0 $0x8  }
0x159: {  	_ =	swait.ge @!p0 [sflag:s0], s1  }
0x15a: {  	s1 =	ssub.s32 @!p0 $0x0, s1;
	[sflag:s0] =	ssyncset.done @!p0 $0x0  }
0x15b: {  	[sflag:s0] =	ssyncadd.s32 @!p0 s1  }
0x15c: {  	[bflag:$0x3] =	sbarrier.arrive $0xFFFF  }
0x15d: {  	_ =	shalt  }

</sc_bundles>
